<compile_context>
chip_gen: v7x
topology: tpu7x:2x2x1
jax: 0.10.2.dev20260603
libtpu: 0.0.44.dev20260713+nightly
codegen_flags: <defaults>
</compile_context>

<pallas_src>
import functools

import jax
import jax.numpy as jnp
from jax import lax
from jax.experimental import pallas as pl
from jax.experimental.pallas import tpu as pltpu
from jax.experimental.pallas import tpu_sc as plsc

N = 10000
E = 320000
D = 128
NP = 10112

NC = 2
NS = 16
NW = NC * NS
EPW = E // NW
FPW = D // NW
EB = 4000
NEB = E // EB

_mesh = plsc.VectorSubcoreMesh(
    core_axis_name="c", subcore_axis_name="s", num_cores=NC, num_subcores=NS)
_params = pltpu.CompilerParams(needs_layout_passes=False)


@functools.partial(
    pl.kernel,
    out_type=jax.ShapeDtypeStruct((NW, 1, NP), jnp.float32),
    mesh=_mesh,
    compiler_params=_params,
    scratch_types=[
        pltpu.VMEM((EPW,), jnp.int32),
        pltpu.VMEM((NP,), jnp.float32),
    ],
)
def _deg_kernel(dst1, degp, didx, acc):
    c = lax.axis_index("c")
    s = lax.axis_index("s")
    wid = c * NS + s
    pltpu.sync_copy(dst1.at[pl.ds(wid * EPW, EPW)], didx)
    zero16 = jnp.zeros((16,), jnp.float32)
    ones16 = jnp.ones((16,), jnp.float32)

    @plsc.parallel_loop(0, NP // 16, unroll=8)
    def _(i):
        acc[pl.ds(i * 16, 16)] = zero16

    @plsc.parallel_loop(0, EPW // 16, unroll=8)
    def _(j):
        dv = didx[pl.ds(j * 16, 16)]
        plsc.addupdate_scatter(acc, [dv], ones16)

    pltpu.sync_copy(acc, degp.at[wid, 0])


@functools.partial(
    pl.kernel,
    out_type=jax.ShapeDtypeStruct((NW, FPW, NP), jnp.float32),
    mesh=_mesh,
    compiler_params=_params,
    scratch_types=[
        [pltpu.VMEM((NP,), jnp.float32) for _ in range(FPW)],
        [pltpu.VMEM((NP,), jnp.float32) for _ in range(FPW)],
        [pltpu.VMEM((EB,), jnp.int32) for _ in range(2)],
        [pltpu.VMEM((EB,), jnp.int32) for _ in range(2)],
        [pltpu.SemaphoreType.DMA for _ in range(4)],
    ],
)
def _seg_kernel(h2s, src1, dst1, outp, hs, accs, sbs, dbs, sems):
    c = lax.axis_index("c")
    s = lax.axis_index("s")
    wid = c * NS + s
    for f in range(FPW):
        pltpu.sync_copy(h2s.at[wid, f], hs[f])
    zero16 = jnp.zeros((16,), jnp.float32)

    @plsc.parallel_loop(0, NP // 16, unroll=4)
    def _(i):
        for f in range(FPW):
            accs[f][pl.ds(i * 16, 16)] = zero16

    for p in range(2):
        pltpu.async_copy(src1.at[pl.ds(p * EB, EB)], sbs[p], sems[2 * p])
        pltpu.async_copy(dst1.at[pl.ds(p * EB, EB)], dbs[p], sems[2 * p + 1])

    def ebody(k, carry):
        for p in range(2):
            ck = k * 2 + p
            pltpu.make_async_copy(
                src1.at[pl.ds(ck * EB, EB)], sbs[p], sems[2 * p]).wait()
            pltpu.make_async_copy(
                dst1.at[pl.ds(ck * EB, EB)], dbs[p], sems[2 * p + 1]).wait()

            @plsc.parallel_loop(0, EB // 16, unroll=8)
            def _(i):
                sv = sbs[p][pl.ds(i * 16, 16)]
                dv = dbs[p][pl.ds(i * 16, 16)]
                for f in range(FPW):
                    g = plsc.load_gather(hs[f], [sv])
                    plsc.addupdate_scatter(accs[f], [dv], g)

            @pl.when(ck + 2 < NEB)
            def _():
                pltpu.async_copy(
                    src1.at[pl.ds((ck + 2) * EB, EB)], sbs[p], sems[2 * p])
                pltpu.async_copy(
                    dst1.at[pl.ds((ck + 2) * EB, EB)], dbs[p], sems[2 * p + 1])

        return carry

    lax.fori_loop(0, NEB // 2, ebody, 0)
    for f in range(FPW):
        pltpu.sync_copy(accs[f], outp.at[wid, f])


def _mm_body(x_ref, w_ref, degp_ref, h2s_ref):
    deg = jnp.sum(degp_ref[...][:, 0, :], axis=0)
    dis = lax.rsqrt(jnp.maximum(deg, 1.0))
    h = jnp.dot(x_ref[...], w_ref[...], preferred_element_type=jnp.float32)
    h2 = h * dis[:N, None]
    hT = jnp.concatenate(
        [h2.T, jnp.zeros((D, NP - N), jnp.float32)], axis=1)
    h2s_ref[...] = hT.reshape(NW, FPW, NP)


_mm = pl.pallas_call(
    _mm_body,
    out_shape=jax.ShapeDtypeStruct((NW, FPW, NP), jnp.float32),
)


def _fin_body(outp_ref, degp_ref, b_ref, out_ref):
    deg = jnp.sum(degp_ref[...][:, 0, :], axis=0)
    dis = lax.rsqrt(jnp.maximum(deg, 1.0))
    rows = outp_ref[...].reshape(D, NP)
    out_ref[...] = rows[:, :N].T * dis[:N, None] + b_ref[...]


_fin = pl.pallas_call(
    _fin_body,
    out_shape=jax.ShapeDtypeStruct((N, D), jnp.float32),
)


def kernel(x, edge_index, W, b):
    src1 = edge_index[0]
    dst1 = edge_index[1]
    degp = _deg_kernel(dst1)
    h2s = _mm(x, W, degp)
    outp = _seg_kernel(h2s, src1, dst1)
    return _fin(outp, degp, b.reshape(1, D))

# --- scband reference (transcript-rebuilt; emitter-appended) ---
"""Pipeline reference for scband-gnnfflayer-12850542149832 (READ-ONLY COPY).

The authoritative reference and input builder live on the scoring server;
editing this copy changes nothing except your own understanding.
"""

import jax, jax.numpy as jnp
import numpy as np

N_NODES = 10000
N_EDGES = 320000
D_FEAT = 128
D_OUT = 128


def setup_inputs(seed: int = 0) -> dict:
    key = jax.random.key(seed)
    k1, k2, k3, k4 = jax.random.split(key, 4)
    x = jax.random.normal(k1, (N_NODES, D_FEAT), dtype=jnp.float32)
    edge_index = jax.random.randint(k2, (2, N_EDGES), 0, N_NODES, dtype=jnp.int32)
    # Learned params of the wrapped GCNConv(in=128, out=128)
    W = jax.random.normal(k3, (D_FEAT, D_OUT), dtype=jnp.float32) / np.sqrt(D_FEAT)
    b = jnp.zeros((D_OUT,), dtype=jnp.float32)
    return {"x": x, "edge_index": edge_index, "W": W, "b": b}


def reference(x, edge_index, W, b):
    # GNNFFLayer.forward(x, edge_index) -> self.gnn_layer(x, edge_index)
    # gnn_layer is a GCNConv: h = x @ W; out[dst] += norm * h[src]; out += b
    src = edge_index[0]
    dst = edge_index[1]
    h = x @ W
    ones = jnp.ones((src.shape[0],), dtype=x.dtype)
    deg = jax.ops.segment_sum(ones, dst, num_segments=N_NODES)
    deg = jnp.clip(deg, 1.0, None)
    deg_inv_sqrt = 1.0 / jnp.sqrt(deg)
    norm = deg_inv_sqrt[src] * deg_inv_sqrt[dst]
    msg = h[src] * norm[:, None]
    out = jax.ops.segment_sum(msg, dst, num_segments=N_NODES)
    return out + b

if __name__ == "__main__":
    import jax
    _d = setup_inputs()
    print(jax.jit(kernel)(*tuple(_d.values())))

</pallas_src>

<mosaic_0001>
#map = affine_map<(d0, d1) -> (0)>
#map1 = affine_map<(d0, d1) -> (0, 0, 0)>
module attributes {stable_mosaic.version = 14 : i64} {
  func.func @_deg_kernel(%arg0: i32, %arg1: i32, %arg2: memref<320000xi32, #tpu.memory_space<hbm>>, %arg3: memref<32x1x10112xf32, #tpu.memory_space<hbm>>, %arg4: memref<10000xi32, #tpu.memory_space<vmem>>, %arg5: memref<10112xf32, #tpu.memory_space<vmem>>) attributes {dimension_semantics = [#tpu.dimension_semantics<core_parallel>, #tpu.dimension_semantics<subcore_parallel>], iteration_bounds = array<i64: 2, 16>, scalar_prefetch = 0 : i64, scratch_operands = 2 : i64, tpu.core_type = #tpu.core_type<sc_vector_subcore>, window_params = [{transform_indices = #map}, {transform_indices = #map1}]} {
    %mul3A = arith.constant 16 : i32
    %mul3A_0 = arith.muli %arg0, %mul3A : i32
    %add3A = arith.addi %mul3A_0, %arg1 : i32
    %mul3A_1 = arith.constant 10000 : i32
    %mul3A_2 = arith.muli %add3A, %mul3A_1 : i32
    "tpu.region"() ({
      %run_scoped3A_11 = tpu.sem_alloc : memref<!tpu.dma_semaphore, #tpu.memory_space<semaphore_mem>>
      %dma_start3A = tpu.memref_slice %arg2[%mul3A_2] : memref<320000xi32, #tpu.memory_space<hbm>> -> memref<10000xi32, #tpu.memory_space<hbm>>
      %dma_start3A_12 = tpu.memref_slice %arg2[%mul3A_2] : memref<320000xi32, #tpu.memory_space<hbm>> -> memref<10000xi32, #tpu.memory_space<hbm>>
      tpu.enqueue_dma source(%dma_start3A_12 : memref<10000xi32, #tpu.memory_space<hbm>>) target(%arg4 : memref<10000xi32, #tpu.memory_space<vmem>>) target_semaphore(%run_scoped3A_11 : memref<!tpu.dma_semaphore, #tpu.memory_space<semaphore_mem>>)
      %dma_wait3A = tpu.memref_slice %arg2[%mul3A_2] : memref<320000xi32, #tpu.memory_space<hbm>> -> memref<10000xi32, #tpu.memory_space<hbm>>
      %dma_wait3A_13 = tpu.memref_slice %arg2[%mul3A_2] : memref<320000xi32, #tpu.memory_space<hbm>> -> memref<10000xi32, #tpu.memory_space<hbm>>
      tpu.wait_dma2 semaphore(%run_scoped3A_11 : memref<!tpu.dma_semaphore, #tpu.memory_space<semaphore_mem>>) src(%dma_wait3A_13 : memref<10000xi32, #tpu.memory_space<hbm>>) dst(%arg4 : memref<10000xi32, #tpu.memory_space<vmem>>)
      tpu.yield
    }) : () -> ()
    %broadcast_in_dim3A = arith.constant 0.000000e+00 : f32
    %broadcast_in_dim3A_3 = vector.broadcast %broadcast_in_dim3A : f32 to vector<16xf32>
    %broadcast_in_dim3A_4 = arith.constant 1.000000e+00 : f32
    %broadcast_in_dim3A_5 = vector.broadcast %broadcast_in_dim3A_4 : f32 to vector<16xf32>
    %parallel_loop3A = arith.constant 0 : i32
    %parallel_loop3A_6 = arith.constant 632 : i32
    %parallel_loop3A_7 = arith.constant 1 : i32
    scf.for %parallel_loop3A_11 = %parallel_loop3A to %parallel_loop3A_6 step %parallel_loop3A_7  : i32 {
      %parallel_loop3A_12 = arith.constant 16 : i32
      %parallel_loop3A_13 = arith.muli %parallel_loop3A_11, %parallel_loop3A_12 : i32
      %parallel_loop3A_14 = arith.index_cast %parallel_loop3A_13 : i32 to index
      %parallel_loop3A_15 = tpu.vector_load %arg5[%parallel_loop3A_14] {strides = array<i32>} : memref<10112xf32, #tpu.memory_space<vmem>>, vector<16xf32>,
      tpu.vector_store %arg5[%parallel_loop3A_14], %broadcast_in_dim3A_3 {strides = array<i32>} : memref<10112xf32, #tpu.memory_space<vmem>>, vector<16xf32>,
    } {sc.loop_unroll_factor = 8 : i64, sc.parallel_access}
    %parallel_loop3A_8 = arith.constant 0 : i32
    %parallel_loop3A_9 = arith.constant 625 : i32
    %parallel_loop3A_10 = arith.constant 1 : i32
    scf.for %parallel_loop3A_11 = %parallel_loop3A_8 to %parallel_loop3A_9 step %parallel_loop3A_10  : i32 {
      %parallel_loop3A_12 = arith.constant 16 : i32
      %parallel_loop3A_13 = arith.muli %parallel_loop3A_11, %parallel_loop3A_12 : i32
      %parallel_loop3A_14 = arith.index_cast %parallel_loop3A_13 : i32 to index
      %parallel_loop3A_15 = tpu.vector_load %arg4[%parallel_loop3A_14] {strides = array<i32>} : memref<10000xi32, #tpu.memory_space<vmem>>, vector<16xi32>,
      tpu.vector_store_idx %arg5[%parallel_loop3A_15], %broadcast_in_dim3A_5 {add = true} : memref<10112xf32, #tpu.memory_space<vmem>>[vector<16xi32>], vector<16xf32>,
    } {sc.loop_unroll_factor = 8 : i64, sc.parallel_access}
    %run_scoped3A = arith.constant 0 : i32
    "tpu.region"() ({
      %run_scoped3A_11 = tpu.sem_alloc : memref<!tpu.dma_semaphore, #tpu.memory_space<semaphore_mem>>
      %dma_start3A = arith.constant 0 : i32
      %dma_start3A_12 = tpu.memref_slice %arg3[%add3A, %run_scoped3A, %dma_start3A] : memref<32x1x10112xf32, #tpu.memory_space<hbm>> -> memref<1x1x10112xf32, #tpu.memory_space<hbm>>
      %dma_start3A_13 = tpu.memref_squeeze %dma_start3A_12 : memref<1x1x10112xf32, #tpu.memory_space<hbm>> -> memref<10112xf32, #tpu.memory_space<hbm>>
      %dma_start3A_14 = arith.constant 0 : i32
      %dma_start3A_15 = tpu.memref_slice %arg3[%add3A, %run_scoped3A, %dma_start3A_14] : memref<32x1x10112xf32, #tpu.memory_space<hbm>> -> memref<1x1x10112xf32, #tpu.memory_space<hbm>>
      %dma_start3A_16 = tpu.memref_squeeze %dma_start3A_15 : memref<1x1x10112xf32, #tpu.memory_space<hbm>> -> memref<10112xf32, #tpu.memory_space<hbm>>
      tpu.enqueue_dma source(%arg5 : memref<10112xf32, #tpu.memory_space<vmem>>) target(%dma_start3A_16 : memref<10112xf32, #tpu.memory_space<hbm>>) target_semaphore(%run_scoped3A_11 : memref<!tpu.dma_semaphore, #tpu.memory_space<semaphore_mem>>)
      %dma_wait3A = arith.constant 0 : i32
      %dma_wait3A_17 = tpu.memref_slice %arg3[%add3A, %run_scoped3A, %dma_wait3A] : memref<32x1x10112xf32, #tpu.memory_space<hbm>> -> memref<1x1x10112xf32, #tpu.memory_space<hbm>>
      %dma_wait3A_18 = tpu.memref_squeeze %dma_wait3A_17 : memref<1x1x10112xf32, #tpu.memory_space<hbm>> -> memref<10112xf32, #tpu.memory_space<hbm>>
      %dma_wait3A_19 = arith.constant 0 : i32
      %dma_wait3A_20 = tpu.memref_slice %arg3[%add3A, %run_scoped3A, %dma_wait3A_19] : memref<32x1x10112xf32, #tpu.memory_space<hbm>> -> memref<1x1x10112xf32, #tpu.memory_space<hbm>>
      %dma_wait3A_21 = tpu.memref_squeeze %dma_wait3A_20 : memref<1x1x10112xf32, #tpu.memory_space<hbm>> -> memref<10112xf32, #tpu.memory_space<hbm>>
      tpu.wait_dma2 semaphore(%run_scoped3A_11 : memref<!tpu.dma_semaphore, #tpu.memory_space<semaphore_mem>>) src(%arg5 : memref<10112xf32, #tpu.memory_space<vmem>>) dst(%dma_wait3A_21 : memref<10112xf32, #tpu.memory_space<hbm>>)
      tpu.yield
    }) : () -> ()
    return
  }
}

#map = affine_map<(d0, d1) -> (0, 0, 0)>
#map1 = affine_map<(d0, d1) -> (0)>
module attributes {stable_mosaic.version = 14 : i64} {
  func.func @_seg_kernel(%arg0: i32, %arg1: i32, %arg2: memref<32x4x10112xf32, #tpu.memory_space<hbm>>, %arg3: memref<320000xi32, #tpu.memory_space<hbm>>, %arg4: memref<320000xi32, #tpu.memory_space<hbm>>, %arg5: memref<32x4x10112xf32, #tpu.memory_space<hbm>>, %arg6: memref<10112xf32, #tpu.memory_space<vmem>>, %arg7: memref<10112xf32, #tpu.memory_space<vmem>>, %arg8: memref<10112xf32, #tpu.memory_space<vmem>>, %arg9: memref<10112xf32, #tpu.memory_space<vmem>>, %arg10: memref<10112xf32, #tpu.memory_space<vmem>>, %arg11: memref<10112xf32, #tpu.memory_space<vmem>>, %arg12: memref<10112xf32, #tpu.memory_space<vmem>>, %arg13: memref<10112xf32, #tpu.memory_space<vmem>>, %arg14: memref<4000xi32, #tpu.memory_space<vmem>>, %arg15: memref<4000xi32, #tpu.memory_space<vmem>>, %arg16: memref<4000xi32, #tpu.memory_space<vmem>>, %arg17: memref<4000xi32, #tpu.memory_space<vmem>>, %arg18: memref<!tpu.dma_semaphore, #tpu.memory_space<semaphore_mem>>, %arg19: memref<!tpu.dma_semaphore, #tpu.memory_space<semaphore_mem>>, %arg20: memref<!tpu.dma_semaphore, #tpu.memory_space<semaphore_mem>>, %arg21: memref<!tpu.dma_semaphore, #tpu.memory_space<semaphore_mem>>) attributes {dimension_semantics = [#tpu.dimension_semantics<core_parallel>, #tpu.dimension_semantics<subcore_parallel>], iteration_bounds = array<i64: 2, 16>, scalar_prefetch = 0 : i64, scratch_operands = 16 : i64, tpu.core_type = #tpu.core_type<sc_vector_subcore>, window_params = [{transform_indices = #map}, {transform_indices = #map1}, {transform_indices = #map1}, {transform_indices = #map}]} {
    %mul3A = arith.constant 16 : i32
    %mul3A_0 = arith.muli %arg0, %mul3A : i32
    %add3A = arith.addi %mul3A_0, %arg1 : i32
    %run_scoped3A = arith.constant 0 : i32
    "tpu.region"() ({
      %run_scoped3A_31 = tpu.sem_alloc : memref<!tpu.dma_semaphore, #tpu.memory_space<semaphore_mem>>
      %dma_start3A_32 = arith.constant 0 : i32
      %dma_start3A_33 = tpu.memref_slice %arg2[%add3A, %run_scoped3A, %dma_start3A_32] : memref<32x4x10112xf32, #tpu.memory_space<hbm>> -> memref<1x1x10112xf32, #tpu.memory_space<hbm>>
      %dma_start3A_34 = tpu.memref_squeeze %dma_start3A_33 : memref<1x1x10112xf32, #tpu.memory_space<hbm>> -> memref<10112xf32, #tpu.memory_space<hbm>>
      %dma_start3A_35 = arith.constant 0 : i32
      %dma_start3A_36 = tpu.memref_slice %arg2[%add3A, %run_scoped3A, %dma_start3A_35] : memref<32x4x10112xf32, #tpu.memory_space<hbm>> -> memref<1x1x10112xf32, #tpu.memory_space<hbm>>
      %dma_start3A_37 = tpu.memref_squeeze %dma_start3A_36 : memref<1x1x10112xf32, #tpu.memory_space<hbm>> -> memref<10112xf32, #tpu.memory_space<hbm>>
      tpu.enqueue_dma source(%dma_start3A_37 : memref<10112xf32, #tpu.memory_space<hbm>>) target(%arg6 : memref<10112xf32, #tpu.memory_space<vmem>>) target_semaphore(%run_scoped3A_31 : memref<!tpu.dma_semaphore, #tpu.memory_space<semaphore_mem>>)
      %dma_wait3A = arith.constant 0 : i32
      %dma_wait3A_38 = tpu.memref_slice %arg2[%add3A, %run_scoped3A, %dma_wait3A] : memref<32x4x10112xf32, #tpu.memory_space<hbm>> -> memref<1x1x10112xf32, #tpu.memory_space<hbm>>
      %dma_wait3A_39 = tpu.memref_squeeze %dma_wait3A_38 : memref<1x1x10112xf32, #tpu.memory_space<hbm>> -> memref<10112xf32, #tpu.memory_space<hbm>>
      %dma_wait3A_40 = arith.constant 0 : i32
      %dma_wait3A_41 = tpu.memref_slice %arg2[%add3A, %run_scoped3A, %dma_wait3A_40] : memref<32x4x10112xf32, #tpu.memory_space<hbm>> -> memref<1x1x10112xf32, #tpu.memory_space<hbm>>
      %dma_wait3A_42 = tpu.memref_squeeze %dma_wait3A_41 : memref<1x1x10112xf32, #tpu.memory_space<hbm>> -> memref<10112xf32, #tpu.memory_space<hbm>>
      tpu.wait_dma2 semaphore(%run_scoped3A_31 : memref<!tpu.dma_semaphore, #tpu.memory_space<semaphore_mem>>) src(%dma_wait3A_42 : memref<10112xf32, #tpu.memory_space<hbm>>) dst(%arg6 : memref<10112xf32, #tpu.memory_space<vmem>>)
      tpu.yield
    }) : () -> ()
    %run_scoped3A_1 = arith.constant 1 : i32
    "tpu.region"() ({
      %run_scoped3A_31 = tpu.sem_alloc : memref<!tpu.dma_semaphore, #tpu.memory_space<semaphore_mem>>
      %dma_start3A_32 = arith.constant 0 : i32
      %dma_start3A_33 = tpu.memref_slice %arg2[%add3A, %run_scoped3A_1, %dma_start3A_32] : memref<32x4x10112xf32, #tpu.memory_space<hbm>> -> memref<1x1x10112xf32, #tpu.memory_space<hbm>>
      %dma_start3A_34 = tpu.memref_squeeze %dma_start3A_33 : memref<1x1x10112xf32, #tpu.memory_space<hbm>> -> memref<10112xf32, #tpu.memory_space<hbm>>
      %dma_start3A_35 = arith.constant 0 : i32
      %dma_start3A_36 = tpu.memref_slice %arg2[%add3A, %run_scoped3A_1, %dma_start3A_35] : memref<32x4x10112xf32, #tpu.memory_space<hbm>> -> memref<1x1x10112xf32, #tpu.memory_space<hbm>>
      %dma_start3A_37 = tpu.memref_squeeze %dma_start3A_36 : memref<1x1x10112xf32, #tpu.memory_space<hbm>> -> memref<10112xf32, #tpu.memory_space<hbm>>
      tpu.enqueue_dma source(%dma_start3A_37 : memref<10112xf32, #tpu.memory_space<hbm>>) target(%arg7 : memref<10112xf32, #tpu.memory_space<vmem>>) target_semaphore(%run_scoped3A_31 : memref<!tpu.dma_semaphore, #tpu.memory_space<semaphore_mem>>)
      %dma_wait3A = arith.constant 0 : i32
      %dma_wait3A_38 = tpu.memref_slice %arg2[%add3A, %run_scoped3A_1, %dma_wait3A] : memref<32x4x10112xf32, #tpu.memory_space<hbm>> -> memref<1x1x10112xf32, #tpu.memory_space<hbm>>
      %dma_wait3A_39 = tpu.memref_squeeze %dma_wait3A_38 : memref<1x1x10112xf32, #tpu.memory_space<hbm>> -> memref<10112xf32, #tpu.memory_space<hbm>>
      %dma_wait3A_40 = arith.constant 0 : i32
      %dma_wait3A_41 = tpu.memref_slice %arg2[%add3A, %run_scoped3A_1, %dma_wait3A_40] : memref<32x4x10112xf32, #tpu.memory_space<hbm>> -> memref<1x1x10112xf32, #tpu.memory_space<hbm>>
      %dma_wait3A_42 = tpu.memref_squeeze %dma_wait3A_41 : memref<1x1x10112xf32, #tpu.memory_space<hbm>> -> memref<10112xf32, #tpu.memory_space<hbm>>
      tpu.wait_dma2 semaphore(%run_scoped3A_31 : memref<!tpu.dma_semaphore, #tpu.memory_space<semaphore_mem>>) src(%dma_wait3A_42 : memref<10112xf32, #tpu.memory_space<hbm>>) dst(%arg7 : memref<10112xf32, #tpu.memory_space<vmem>>)
      tpu.yield
    }) : () -> ()
    %run_scoped3A_2 = arith.constant 2 : i32
    "tpu.region"() ({
      %run_scoped3A_31 = tpu.sem_alloc : memref<!tpu.dma_semaphore, #tpu.memory_space<semaphore_mem>>
      %dma_start3A_32 = arith.constant 0 : i32
      %dma_start3A_33 = tpu.memref_slice %arg2[%add3A, %run_scoped3A_2, %dma_start3A_32] : memref<32x4x10112xf32, #tpu.memory_space<hbm>> -> memref<1x1x10112xf32, #tpu.memory_space<hbm>>
      %dma_start3A_34 = tpu.memref_squeeze %dma_start3A_33 : memref<1x1x10112xf32, #tpu.memory_space<hbm>> -> memref<10112xf32, #tpu.memory_space<hbm>>
      %dma_start3A_35 = arith.constant 0 : i32
      %dma_start3A_36 = tpu.memref_slice %arg2[%add3A, %run_scoped3A_2, %dma_start3A_35] : memref<32x4x10112xf32, #tpu.memory_space<hbm>> -> memref<1x1x10112xf32, #tpu.memory_space<hbm>>
      %dma_start3A_37 = tpu.memref_squeeze %dma_start3A_36 : memref<1x1x10112xf32, #tpu.memory_space<hbm>> -> memref<10112xf32, #tpu.memory_space<hbm>>
      tpu.enqueue_dma source(%dma_start3A_37 : memref<10112xf32, #tpu.memory_space<hbm>>) target(%arg8 : memref<10112xf32, #tpu.memory_space<vmem>>) target_semaphore(%run_scoped3A_31 : memref<!tpu.dma_semaphore, #tpu.memory_space<semaphore_mem>>)
      %dma_wait3A = arith.constant 0 : i32
      %dma_wait3A_38 = tpu.memref_slice %arg2[%add3A, %run_scoped3A_2, %dma_wait3A] : memref<32x4x10112xf32, #tpu.memory_space<hbm>> -> memref<1x1x10112xf32, #tpu.memory_space<hbm>>
      %dma_wait3A_39 = tpu.memref_squeeze %dma_wait3A_38 : memref<1x1x10112xf32, #tpu.memory_space<hbm>> -> memref<10112xf32, #tpu.memory_space<hbm>>
      %dma_wait3A_40 = arith.constant 0 : i32
      %dma_wait3A_41 = tpu.memref_slice %arg2[%add3A, %run_scoped3A_2, %dma_wait3A_40] : memref<32x4x10112xf32, #tpu.memory_space<hbm>> -> memref<1x1x10112xf32, #tpu.memory_space<hbm>>
      %dma_wait3A_42 = tpu.memref_squeeze %dma_wait3A_41 : memref<1x1x10112xf32, #tpu.memory_space<hbm>> -> memref<10112xf32, #tpu.memory_space<hbm>>
      tpu.wait_dma2 semaphore(%run_scoped3A_31 : memref<!tpu.dma_semaphore, #tpu.memory_space<semaphore_mem>>) src(%dma_wait3A_42 : memref<10112xf32, #tpu.memory_space<hbm>>) dst(%arg8 : memref<10112xf32, #tpu.memory_space<vmem>>)
      tpu.yield
    }) : () -> ()
    %run_scoped3A_3 = arith.constant 3 : i32
    "tpu.region"() ({
      %run_scoped3A_31 = tpu.sem_alloc : memref<!tpu.dma_semaphore, #tpu.memory_space<semaphore_mem>>
      %dma_start3A_32 = arith.constant 0 : i32
      %dma_start3A_33 = tpu.memref_slice %arg2[%add3A, %run_scoped3A_3, %dma_start3A_32] : memref<32x4x10112xf32, #tpu.memory_space<hbm>> -> memref<1x1x10112xf32, #tpu.memory_space<hbm>>
      %dma_start3A_34 = tpu.memref_squeeze %dma_start3A_33 : memref<1x1x10112xf32, #tpu.memory_space<hbm>> -> memref<10112xf32, #tpu.memory_space<hbm>>
      %dma_start3A_35 = arith.constant 0 : i32
      %dma_start3A_36 = tpu.memref_slice %arg2[%add3A, %run_scoped3A_3, %dma_start3A_35] : memref<32x4x10112xf32, #tpu.memory_space<hbm>> -> memref<1x1x10112xf32, #tpu.memory_space<hbm>>
      %dma_start3A_37 = tpu.memref_squeeze %dma_start3A_36 : memref<1x1x10112xf32, #tpu.memory_space<hbm>> -> memref<10112xf32, #tpu.memory_space<hbm>>
      tpu.enqueue_dma source(%dma_start3A_37 : memref<10112xf32, #tpu.memory_space<hbm>>) target(%arg9 : memref<10112xf32, #tpu.memory_space<vmem>>) target_semaphore(%run_scoped3A_31 : memref<!tpu.dma_semaphore, #tpu.memory_space<semaphore_mem>>)
      %dma_wait3A = arith.constant 0 : i32
      %dma_wait3A_38 = tpu.memref_slice %arg2[%add3A, %run_scoped3A_3, %dma_wait3A] : memref<32x4x10112xf32, #tpu.memory_space<hbm>> -> memref<1x1x10112xf32, #tpu.memory_space<hbm>>
      %dma_wait3A_39 = tpu.memref_squeeze %dma_wait3A_38 : memref<1x1x10112xf32, #tpu.memory_space<hbm>> -> memref<10112xf32, #tpu.memory_space<hbm>>
      %dma_wait3A_40 = arith.constant 0 : i32
      %dma_wait3A_41 = tpu.memref_slice %arg2[%add3A, %run_scoped3A_3, %dma_wait3A_40] : memref<32x4x10112xf32, #tpu.memory_space<hbm>> -> memref<1x1x10112xf32, #tpu.memory_space<hbm>>
      %dma_wait3A_42 = tpu.memref_squeeze %dma_wait3A_41 : memref<1x1x10112xf32, #tpu.memory_space<hbm>> -> memref<10112xf32, #tpu.memory_space<hbm>>
      tpu.wait_dma2 semaphore(%run_scoped3A_31 : memref<!tpu.dma_semaphore, #tpu.memory_space<semaphore_mem>>) src(%dma_wait3A_42 : memref<10112xf32, #tpu.memory_space<hbm>>) dst(%arg9 : memref<10112xf32, #tpu.memory_space<vmem>>)
      tpu.yield
    }) : () -> ()
    %broadcast_in_dim3A = arith.constant 0.000000e+00 : f32
    %broadcast_in_dim3A_4 = vector.broadcast %broadcast_in_dim3A : f32 to vector<16xf32>
    %parallel_loop3A = arith.constant 0 : i32
    %parallel_loop3A_5 = arith.constant 632 : i32
    %parallel_loop3A_6 = arith.constant 1 : i32
    scf.for %parallel_loop3A_31 = %parallel_loop3A to %parallel_loop3A_5 step %parallel_loop3A_6  : i32 {
      %parallel_loop3A_32 = arith.constant 16 : i32
      %parallel_loop3A_33 = arith.muli %parallel_loop3A_31, %parallel_loop3A_32 : i32
      %parallel_loop3A_34 = arith.index_cast %parallel_loop3A_33 : i32 to index
      %parallel_loop3A_35 = tpu.vector_load %arg10[%parallel_loop3A_34] {strides = array<i32>} : memref<10112xf32, #tpu.memory_space<vmem>>, vector<16xf32>,
      tpu.vector_store %arg10[%parallel_loop3A_34], %broadcast_in_dim3A_4 {strides = array<i32>} : memref<10112xf32, #tpu.memory_space<vmem>>, vector<16xf32>,
      %parallel_loop3A_36 = arith.constant 16 : i32
      %parallel_loop3A_37 = arith.muli %parallel_loop3A_31, %parallel_loop3A_36 : i32
      %parallel_loop3A_38 = arith.index_cast %parallel_loop3A_37 : i32 to index
      %parallel_loop3A_39 = tpu.vector_load %arg11[%parallel_loop3A_38] {strides = array<i32>} : memref<10112xf32, #tpu.memory_space<vmem>>, vector<16xf32>,
      tpu.vector_store %arg11[%parallel_loop3A_38], %broadcast_in_dim3A_4 {strides = array<i32>} : memref<10112xf32, #tpu.memory_space<vmem>>, vector<16xf32>,
      %parallel_loop3A_40 = arith.constant 16 : i32
      %parallel_loop3A_41 = arith.muli %parallel_loop3A_31, %parallel_loop3A_40 : i32
      %parallel_loop3A_42 = arith.index_cast %parallel_loop3A_41 : i32 to index
      %parallel_loop3A_43 = tpu.vector_load %arg12[%parallel_loop3A_42] {strides = array<i32>} : memref<10112xf32, #tpu.memory_space<vmem>>, vector<16xf32>,
      tpu.vector_store %arg12[%parallel_loop3A_42], %broadcast_in_dim3A_4 {strides = array<i32>} : memref<10112xf32, #tpu.memory_space<vmem>>, vector<16xf32>,
      %parallel_loop3A_44 = arith.constant 16 : i32
      %parallel_loop3A_45 = arith.muli %parallel_loop3A_31, %parallel_loop3A_44 : i32
      %parallel_loop3A_46 = arith.index_cast %parallel_loop3A_45 : i32 to index
      %parallel_loop3A_47 = tpu.vector_load %arg13[%parallel_loop3A_46] {strides = array<i32>} : memref<10112xf32, #tpu.memory_space<vmem>>, vector<16xf32>,
      tpu.vector_store %arg13[%parallel_loop3A_46], %broadcast_in_dim3A_4 {strides = array<i32>} : memref<10112xf32, #tpu.memory_space<vmem>>, vector<16xf32>,
    } {sc.loop_unroll_factor = 4 : i64, sc.parallel_access}
    %dma_start3A = arith.constant 0 : i32
    %dma_start3A_7 = tpu.memref_slice %arg3[%dma_start3A] : memref<320000xi32, #tpu.memory_space<hbm>> -> memref<4000xi32, #tpu.memory_space<hbm>>
    %dma_start3A_8 = arith.constant 0 : i32
    %dma_start3A_9 = tpu.memref_slice %arg3[%dma_start3A_8] : memref<320000xi32, #tpu.memory_space<hbm>> -> memref<4000xi32, #tpu.memory_space<hbm>>
    tpu.enqueue_dma source(%dma_start3A_9 : memref<4000xi32, #tpu.memory_space<hbm>>) target(%arg14 : memref<4000xi32, #tpu.memory_space<vmem>>) target_semaphore(%arg18 : memref<!tpu.dma_semaphore, #tpu.memory_space<semaphore_mem>>)
    %dma_start3A_10 = arith.constant 0 : i32
    %dma_start3A_11 = tpu.memref_slice %arg4[%dma_start3A_10] : memref<320000xi32, #tpu.memory_space<hbm>> -> memref<4000xi32, #tpu.memory_space<hbm>>
    %dma_start3A_12 = arith.constant 0 : i32
    %dma_start3A_13 = tpu.memref_slice %arg4[%dma_start3A_12] : memref<320000xi32, #tpu.memory_space<hbm>> -> memref<4000xi32, #tpu.memory_space<hbm>>
    tpu.enqueue_dma source(%dma_start3A_13 : memref<4000xi32, #tpu.memory_space<hbm>>) target(%arg16 : memref<4000xi32, #tpu.memory_space<vmem>>) target_semaphore(%arg19 : memref<!tpu.dma_semaphore, #tpu.memory_space<semaphore_mem>>)
    %dma_start3A_14 = arith.constant 4000 : i32
    %dma_start3A_15 = tpu.memref_slice %arg3[%dma_start3A_14] : memref<320000xi32, #tpu.memory_space<hbm>> -> memref<4000xi32, #tpu.memory_space<hbm>>
    %dma_start3A_16 = arith.constant 4000 : i32
    %dma_start3A_17 = tpu.memref_slice %arg3[%dma_start3A_16] : memref<320000xi32, #tpu.memory_space<hbm>> -> memref<4000xi32, #tpu.memory_space<hbm>>
    tpu.enqueue_dma source(%dma_start3A_17 : memref<4000xi32, #tpu.memory_space<hbm>>) target(%arg15 : memref<4000xi32, #tpu.memory_space<vmem>>) target_semaphore(%arg20 : memref<!tpu.dma_semaphore, #tpu.memory_space<semaphore_mem>>)
    %dma_start3A_18 = arith.constant 4000 : i32
    %dma_start3A_19 = tpu.memref_slice %arg4[%dma_start3A_18] : memref<320000xi32, #tpu.memory_space<hbm>> -> memref<4000xi32, #tpu.memory_space<hbm>>
    %dma_start3A_20 = arith.constant 4000 : i32
    %dma_start3A_21 = tpu.memref_slice %arg4[%dma_start3A_20] : memref<320000xi32, #tpu.memory_space<hbm>> -> memref<4000xi32, #tpu.memory_space<hbm>>
    tpu.enqueue_dma source(%dma_start3A_21 : memref<4000xi32, #tpu.memory_space<hbm>>) target(%arg17 : memref<4000xi32, #tpu.memory_space<vmem>>) target_semaphore(%arg21 : memref<!tpu.dma_semaphore, #tpu.memory_space<semaphore_mem>>)
    %scan3A = arith.constant 0 : i32
    %scan3A_22 = arith.constant 0 : i32
    %scan3A_23 = arith.constant 40 : i32
    %scan3A_24 = arith.addi %scan3A_22, %scan3A_23 : i32
    %scan3A_25 = arith.constant 1 : i32
    scf.for %scan3A_31 = %scan3A_22 to %scan3A_24 step %scan3A_25  : i32 {
      %mul3A_32 = arith.constant 2 : i32
      %mul3A_33 = arith.muli %scan3A_31, %mul3A_32 : i32
      %add3A_34 = arith.constant 0 : i32
      %add3A_35 = arith.addi %mul3A_33, %add3A_34 : i32
      %mul3A_36 = arith.constant 4000 : i32
      %mul3A_37 = arith.muli %add3A_35, %mul3A_36 : i32
      %dma_wait3A = tpu.memref_slice %arg3[%mul3A_37] : memref<320000xi32, #tpu.memory_space<hbm>> -> memref<4000xi32, #tpu.memory_space<hbm>>
      %dma_wait3A_38 = tpu.memref_slice %arg3[%mul3A_37] : memref<320000xi32, #tpu.memory_space<hbm>> -> memref<4000xi32, #tpu.memory_space<hbm>>
      tpu.wait_dma2 semaphore(%arg18 : memref<!tpu.dma_semaphore, #tpu.memory_space<semaphore_mem>>) src(%dma_wait3A_38 : memref<4000xi32, #tpu.memory_space<hbm>>) dst(%arg14 : memref<4000xi32, #tpu.memory_space<vmem>>)
      %mul3A_39 = arith.constant 4000 : i32
      %mul3A_40 = arith.muli %add3A_35, %mul3A_39 : i32
      %dma_wait3A_41 = tpu.memref_slice %arg4[%mul3A_40] : memref<320000xi32, #tpu.memory_space<hbm>> -> memref<4000xi32, #tpu.memory_space<hbm>>
      %dma_wait3A_42 = tpu.memref_slice %arg4[%mul3A_40] : memref<320000xi32, #tpu.memory_space<hbm>> -> memref<4000xi32, #tpu.memory_space<hbm>>
      tpu.wait_dma2 semaphore(%arg19 : memref<!tpu.dma_semaphore, #tpu.memory_space<semaphore_mem>>) src(%dma_wait3A_42 : memref<4000xi32, #tpu.memory_space<hbm>>) dst(%arg16 : memref<4000xi32, #tpu.memory_space<vmem>>)
      %parallel_loop3A_43 = arith.constant 0 : i32
      %parallel_loop3A_44 = arith.constant 250 : i32
      %parallel_loop3A_45 = arith.constant 1 : i32
      scf.for %parallel_loop3A_72 = %parallel_loop3A_43 to %parallel_loop3A_44 step %parallel_loop3A_45  : i32 {
        %parallel_loop3A_73 = arith.constant 16 : i32
        %parallel_loop3A_74 = arith.muli %parallel_loop3A_72, %parallel_loop3A_73 : i32
        %parallel_loop3A_75 = arith.index_cast %parallel_loop3A_74 : i32 to index
        %parallel_loop3A_76 = tpu.vector_load %arg14[%parallel_loop3A_75] {strides = array<i32>} : memref<4000xi32, #tpu.memory_space<vmem>>, vector<16xi32>,
        %parallel_loop3A_77 = arith.constant 16 : i32
        %parallel_loop3A_78 = arith.muli %parallel_loop3A_72, %parallel_loop3A_77 : i32
        %parallel_loop3A_79 = arith.index_cast %parallel_loop3A_78 : i32 to index
        %parallel_loop3A_80 = tpu.vector_load %arg16[%parallel_loop3A_79] {strides = array<i32>} : memref<4000xi32, #tpu.memory_space<vmem>>, vector<16xi32>,
        %parallel_loop3A_81 = tpu.vector_load_idx %arg6[%parallel_loop3A_76] : memref<10112xf32, #tpu.memory_space<vmem>>[vector<16xi32>], vector<16xf32>,
        tpu.vector_store_idx %arg10[%parallel_loop3A_80], %parallel_loop3A_81 {add = true} : memref<10112xf32, #tpu.memory_space<vmem>>[vector<16xi32>], vector<16xf32>,
        %parallel_loop3A_82 = tpu.vector_load_idx %arg7[%parallel_loop3A_76] : memref<10112xf32, #tpu.memory_space<vmem>>[vector<16xi32>], vector<16xf32>,
        tpu.vector_store_idx %arg11[%parallel_loop3A_80], %parallel_loop3A_82 {add = true} : memref<10112xf32, #tpu.memory_space<vmem>>[vector<16xi32>], vector<16xf32>,
        %parallel_loop3A_83 = tpu.vector_load_idx %arg8[%parallel_loop3A_76] : memref<10112xf32, #tpu.memory_space<vmem>>[vector<16xi32>], vector<16xf32>,
        tpu.vector_store_idx %arg12[%parallel_loop3A_80], %parallel_loop3A_83 {add = true} : memref<10112xf32, #tpu.memory_space<vmem>>[vector<16xi32>], vector<16xf32>,
        %parallel_loop3A_84 = tpu.vector_load_idx %arg9[%parallel_loop3A_76] : memref<10112xf32, #tpu.memory_space<vmem>>[vector<16xi32>], vector<16xf32>,
        tpu.vector_store_idx %arg13[%parallel_loop3A_80], %parallel_loop3A_84 {add = true} : memref<10112xf32, #tpu.memory_space<vmem>>[vector<16xi32>], vector<16xf32>,
      } {sc.loop_unroll_factor = 8 : i64, sc.parallel_access}
      %add3A_46 = arith.constant 2 : i32
      %add3A_47 = arith.addi %add3A_35, %add3A_46 : i32
      %lt3A = arith.constant 80 : i32
      %lt3A_48 = arith.cmpi slt, %add3A_47, %lt3A : i32
      %convert_element_type3A = arith.extui %lt3A_48 : i1 to i32
      %cond3A = arith.constant 0 : i32
      %cond3A_49 = arith.cmpi ne, %convert_element_type3A, %cond3A : i32
      scf.if %cond3A_49 {
        %add3A_72 = arith.constant 2 : i32
        %add3A_73 = arith.addi %add3A_35, %add3A_72 : i32
        %mul3A_74 = arith.constant 4000 : i32
        %mul3A_75 = arith.muli %add3A_73, %mul3A_74 : i32
        %dma_start3A_76 = tpu.memref_slice %arg3[%mul3A_75] : memref<320000xi32, #tpu.memory_space<hbm>> -> memref<4000xi32, #tpu.memory_space<hbm>>
        %dma_start3A_77 = tpu.memref_slice %arg3[%mul3A_75] : memref<320000xi32, #tpu.memory_space<hbm>> -> memref<4000xi32, #tpu.memory_space<hbm>>
        tpu.enqueue_dma source(%dma_start3A_77 : memref<4000xi32, #tpu.memory_space<hbm>>) target(%arg14 : memref<4000xi32, #tpu.memory_space<vmem>>) target_semaphore(%arg18 : memref<!tpu.dma_semaphore, #tpu.memory_space<semaphore_mem>>)
        %add3A_78 = arith.constant 2 : i32
        %add3A_79 = arith.addi %add3A_35, %add3A_78 : i32
        %mul3A_80 = arith.constant 4000 : i32
        %mul3A_81 = arith.muli %add3A_79, %mul3A_80 : i32
        %dma_start3A_82 = tpu.memref_slice %arg4[%mul3A_81] : memref<320000xi32, #tpu.memory_space<hbm>> -> memref<4000xi32, #tpu.memory_space<hbm>>
        %dma_start3A_83 = tpu.memref_slice %arg4[%mul3A_81] : memref<320000xi32, #tpu.memory_space<hbm>> -> memref<4000xi32, #tpu.memory_space<hbm>>
        tpu.enqueue_dma source(%dma_start3A_83 : memref<4000xi32, #tpu.memory_space<hbm>>) target(%arg16 : memref<4000xi32, #tpu.memory_space<vmem>>) target_semaphore(%arg19 : memref<!tpu.dma_semaphore, #tpu.memory_space<semaphore_mem>>)
      } else {
      }
      %mul3A_50 = arith.constant 2 : i32
      %mul3A_51 = arith.muli %scan3A_31, %mul3A_50 : i32
      %add3A_52 = arith.constant 1 : i32
      %add3A_53 = arith.addi %mul3A_51, %add3A_52 : i32
      %mul3A_54 = arith.constant 4000 : i32
      %mul3A_55 = arith.muli %add3A_53, %mul3A_54 : i32
      %dma_wait3A_56 = tpu.memref_slice %arg3[%mul3A_55] : memref<320000xi32, #tpu.memory_space<hbm>> -> memref<4000xi32, #tpu.memory_space<hbm>>
      %dma_wait3A_57 = tpu.memref_slice %arg3[%mul3A_55] : memref<320000xi32, #tpu.memory_space<hbm>> -> memref<4000xi32, #tpu.memory_space<hbm>>
      tpu.wait_dma2 semaphore(%arg20 : memref<!tpu.dma_semaphore, #tpu.memory_space<semaphore_mem>>) src(%dma_wait3A_57 : memref<4000xi32, #tpu.memory_space<hbm>>) dst(%arg15 : memref<4000xi32, #tpu.memory_space<vmem>>)
      %mul3A_58 = arith.constant 4000 : i32
      %mul3A_59 = arith.muli %add3A_53, %mul3A_58 : i32
      %dma_wait3A_60 = tpu.memref_slice %arg4[%mul3A_59] : memref<320000xi32, #tpu.memory_space<hbm>> -> memref<4000xi32, #tpu.memory_space<hbm>>
      %dma_wait3A_61 = tpu.memref_slice %arg4[%mul3A_59] : memref<320000xi32, #tpu.memory_space<hbm>> -> memref<4000xi32, #tpu.memory_space<hbm>>
      tpu.wait_dma2 semaphore(%arg21 : memref<!tpu.dma_semaphore, #tpu.memory_space<semaphore_mem>>) src(%dma_wait3A_61 : memref<4000xi32, #tpu.memory_space<hbm>>) dst(%arg17 : memref<4000xi32, #tpu.memory_space<vmem>>)
      %parallel_loop3A_62 = arith.constant 0 : i32
      %parallel_loop3A_63 = arith.constant 250 : i32
      %parallel_loop3A_64 = arith.constant 1 : i32
      scf.for %parallel_loop3A_72 = %parallel_loop3A_62 to %parallel_loop3A_63 step %parallel_loop3A_64  : i32 {
        %parallel_loop3A_73 = arith.constant 16 : i32
        %parallel_loop3A_74 = arith.muli %parallel_loop3A_72, %parallel_loop3A_73 : i32
        %parallel_loop3A_75 = arith.index_cast %parallel_loop3A_74 : i32 to index
        %parallel_loop3A_76 = tpu.vector_load %arg15[%parallel_loop3A_75] {strides = array<i32>} : memref<4000xi32, #tpu.memory_space<vmem>>, vector<16xi32>,
        %parallel_loop3A_77 = arith.constant 16 : i32
        %parallel_loop3A_78 = arith.muli %parallel_loop3A_72, %parallel_loop3A_77 : i32
        %parallel_loop3A_79 = arith.index_cast %parallel_loop3A_78 : i32 to index
        %parallel_loop3A_80 = tpu.vector_load %arg17[%parallel_loop3A_79] {strides = array<i32>} : memref<4000xi32, #tpu.memory_space<vmem>>, vector<16xi32>,
        %parallel_loop3A_81 = tpu.vector_load_idx %arg6[%parallel_loop3A_76] : memref<10112xf32, #tpu.memory_space<vmem>>[vector<16xi32>], vector<16xf32>,
        tpu.vector_store_idx %arg10[%parallel_loop3A_80], %parallel_loop3A_81 {add = true} : memref<10112xf32, #tpu.memory_space<vmem>>[vector<16xi32>], vector<16xf32>,
        %parallel_loop3A_82 = tpu.vector_load_idx %arg7[%parallel_loop3A_76] : memref<10112xf32, #tpu.memory_space<vmem>>[vector<16xi32>], vector<16xf32>,
        tpu.vector_store_idx %arg11[%parallel_loop3A_80], %parallel_loop3A_82 {add = true} : memref<10112xf32, #tpu.memory_space<vmem>>[vector<16xi32>], vector<16xf32>,
        %parallel_loop3A_83 = tpu.vector_load_idx %arg8[%parallel_loop3A_76] : memref<10112xf32, #tpu.memory_space<vmem>>[vector<16xi32>], vector<16xf32>,
        tpu.vector_store_idx %arg12[%parallel_loop3A_80], %parallel_loop3A_83 {add = true} : memref<10112xf32, #tpu.memory_space<vmem>>[vector<16xi32>], vector<16xf32>,
        %parallel_loop3A_84 = tpu.vector_load_idx %arg9[%parallel_loop3A_76] : memref<10112xf32, #tpu.memory_space<vmem>>[vector<16xi32>], vector<16xf32>,
        tpu.vector_store_idx %arg13[%parallel_loop3A_80], %parallel_loop3A_84 {add = true} : memref<10112xf32, #tpu.memory_space<vmem>>[vector<16xi32>], vector<16xf32>,
      } {sc.loop_unroll_factor = 8 : i64, sc.parallel_access}
      %add3A_65 = arith.constant 2 : i32
      %add3A_66 = arith.addi %add3A_53, %add3A_65 : i32
      %lt3A_67 = arith.constant 80 : i32
      %lt3A_68 = arith.cmpi slt, %add3A_66, %lt3A_67 : i32
      %convert_element_type3A_69 = arith.extui %lt3A_68 : i1 to i32
      %cond3A_70 = arith.constant 0 : i32
      %cond3A_71 = arith.cmpi ne, %convert_element_type3A_69, %cond3A_70 : i32
      scf.if %cond3A_71 {
        %add3A_72 = arith.constant 2 : i32
        %add3A_73 = arith.addi %add3A_53, %add3A_72 : i32
        %mul3A_74 = arith.constant 4000 : i32
        %mul3A_75 = arith.muli %add3A_73, %mul3A_74 : i32
        %dma_start3A_76 = tpu.memref_slice %arg3[%mul3A_75] : memref<320000xi32, #tpu.memory_space<hbm>> -> memref<4000xi32, #tpu.memory_space<hbm>>
        %dma_start3A_77 = tpu.memref_slice %arg3[%mul3A_75] : memref<320000xi32, #tpu.memory_space<hbm>> -> memref<4000xi32, #tpu.memory_space<hbm>>
        tpu.enqueue_dma source(%dma_start3A_77 : memref<4000xi32, #tpu.memory_space<hbm>>) target(%arg15 : memref<4000xi32, #tpu.memory_space<vmem>>) target_semaphore(%arg20 : memref<!tpu.dma_semaphore, #tpu.memory_space<semaphore_mem>>)
        %add3A_78 = arith.constant 2 : i32
        %add3A_79 = arith.addi %add3A_53, %add3A_78 : i32
        %mul3A_80 = arith.constant 4000 : i32
        %mul3A_81 = arith.muli %add3A_79, %mul3A_80 : i32
        %dma_start3A_82 = tpu.memref_slice %arg4[%mul3A_81] : memref<320000xi32, #tpu.memory_space<hbm>> -> memref<4000xi32, #tpu.memory_space<hbm>>
        %dma_start3A_83 = tpu.memref_slice %arg4[%mul3A_81] : memref<320000xi32, #tpu.memory_space<hbm>> -> memref<4000xi32, #tpu.memory_space<hbm>>
        tpu.enqueue_dma source(%dma_start3A_83 : memref<4000xi32, #tpu.memory_space<hbm>>) target(%arg17 : memref<4000xi32, #tpu.memory_space<vmem>>) target_semaphore(%arg21 : memref<!tpu.dma_semaphore, #tpu.memory_space<semaphore_mem>>)
      } else {
      }
    }
    %scan3A_26 = arith.constant 40 : i32
    %run_scoped3A_27 = arith.constant 0 : i32
    "tpu.region"() ({
      %run_scoped3A_31 = tpu.sem_alloc : memref<!tpu.dma_semaphore, #tpu.memory_space<semaphore_mem>>
      %dma_start3A_32 = arith.constant 0 : i32
      %dma_start3A_33 = tpu.memref_slice %arg5[%add3A, %run_scoped3A_27, %dma_start3A_32] : memref<32x4x10112xf32, #tpu.memory_space<hbm>> -> memref<1x1x10112xf32, #tpu.memory_space<hbm>>
      %dma_start3A_34 = tpu.memref_squeeze %dma_start3A_33 : memref<1x1x10112xf32, #tpu.memory_space<hbm>> -> memref<10112xf32, #tpu.memory_space<hbm>>
      %dma_start3A_35 = arith.constant 0 : i32
      %dma_start3A_36 = tpu.memref_slice %arg5[%add3A, %run_scoped3A_27, %dma_start3A_35] : memref<32x4x10112xf32, #tpu.memory_space<hbm>> -> memref<1x1x10112xf32, #tpu.memory_space<hbm>>
      %dma_start3A_37 = tpu.memref_squeeze %dma_start3A_36 : memref<1x1x10112xf32, #tpu.memory_space<hbm>> -> memref<10112xf32, #tpu.memory_space<hbm>>
      tpu.enqueue_dma source(%arg10 : memref<10112xf32, #tpu.memory_space<vmem>>) target(%dma_start3A_37 : memref<10112xf32, #tpu.memory_space<hbm>>) target_semaphore(%run_scoped3A_31 : memref<!tpu.dma_semaphore, #tpu.memory_space<semaphore_mem>>)
      %dma_wait3A = arith.constant 0 : i32
      %dma_wait3A_38 = tpu.memref_slice %arg5[%add3A, %run_scoped3A_27, %dma_wait3A] : memref<32x4x10112xf32, #tpu.memory_space<hbm>> -> memref<1x1x10112xf32, #tpu.memory_space<hbm>>
      %dma_wait3A_39 = tpu.memref_squeeze %dma_wait3A_38 : memref<1x1x10112xf32, #tpu.memory_space<hbm>> -> memref<10112xf32, #tpu.memory_space<hbm>>
      %dma_wait3A_40 = arith.constant 0 : i32
      %dma_wait3A_41 = tpu.memref_slice %arg5[%add3A, %run_scoped3A_27, %dma_wait3A_40] : memref<32x4x10112xf32, #tpu.memory_space<hbm>> -> memref<1x1x10112xf32, #tpu.memory_space<hbm>>
      %dma_wait3A_42 = tpu.memref_squeeze %dma_wait3A_41 : memref<1x1x10112xf32, #tpu.memory_space<hbm>> -> memref<10112xf32, #tpu.memory_space<hbm>>
      tpu.wait_dma2 semaphore(%run_scoped3A_31 : memref<!tpu.dma_semaphore, #tpu.memory_space<semaphore_mem>>) src(%arg10 : memref<10112xf32, #tpu.memory_space<vmem>>) dst(%dma_wait3A_42 : memref<10112xf32, #tpu.memory_space<hbm>>)
      tpu.yield
    }) : () -> ()
    %run_scoped3A_28 = arith.constant 1 : i32
    "tpu.region"() ({
      %run_scoped3A_31 = tpu.sem_alloc : memref<!tpu.dma_semaphore, #tpu.memory_space<semaphore_mem>>
      %dma_start3A_32 = arith.constant 0 : i32
      %dma_start3A_33 = tpu.memref_slice %arg5[%add3A, %run_scoped3A_28, %dma_start3A_32] : memref<32x4x10112xf32, #tpu.memory_space<hbm>> -> memref<1x1x10112xf32, #tpu.memory_space<hbm>>
      %dma_start3A_34 = tpu.memref_squeeze %dma_start3A_33 : memref<1x1x10112xf32, #tpu.memory_space<hbm>> -> memref<10112xf32, #tpu.memory_space<hbm>>
      %dma_start3A_35 = arith.constant 0 : i32
      %dma_start3A_36 = tpu.memref_slice %arg5[%add3A, %run_scoped3A_28, %dma_start3A_35] : memref<32x4x10112xf32, #tpu.memory_space<hbm>> -> memref<1x1x10112xf32, #tpu.memory_space<hbm>>
      %dma_start3A_37 = tpu.memref_squeeze %dma_start3A_36 : memref<1x1x10112xf32, #tpu.memory_space<hbm>> -> memref<10112xf32, #tpu.memory_space<hbm>>
      tpu.enqueue_dma source(%arg11 : memref<10112xf32, #tpu.memory_space<vmem>>) target(%dma_start3A_37 : memref<10112xf32, #tpu.memory_space<hbm>>) target_semaphore(%run_scoped3A_31 : memref<!tpu.dma_semaphore, #tpu.memory_space<semaphore_mem>>)
      %dma_wait3A = arith.constant 0 : i32
      %dma_wait3A_38 = tpu.memref_slice %arg5[%add3A, %run_scoped3A_28, %dma_wait3A] : memref<32x4x10112xf32, #tpu.memory_space<hbm>> -> memref<1x1x10112xf32, #tpu.memory_space<hbm>>
      %dma_wait3A_39 = tpu.memref_squeeze %dma_wait3A_38 : memref<1x1x10112xf32, #tpu.memory_space<hbm>> -> memref<10112xf32, #tpu.memory_space<hbm>>
      %dma_wait3A_40 = arith.constant 0 : i32
      %dma_wait3A_41 = tpu.memref_slice %arg5[%add3A, %run_scoped3A_28, %dma_wait3A_40] : memref<32x4x10112xf32, #tpu.memory_space<hbm>> -> memref<1x1x10112xf32, #tpu.memory_space<hbm>>
      %dma_wait3A_42 = tpu.memref_squeeze %dma_wait3A_41 : memref<1x1x10112xf32, #tpu.memory_space<hbm>> -> memref<10112xf32, #tpu.memory_space<hbm>>
      tpu.wait_dma2 semaphore(%run_scoped3A_31 : memref<!tpu.dma_semaphore, #tpu.memory_space<semaphore_mem>>) src(%arg11 : memref<10112xf32, #tpu.memory_space<vmem>>) dst(%dma_wait3A_42 : memref<10112xf32, #tpu.memory_space<hbm>>)
      tpu.yield
    }) : () -> ()
    %run_scoped3A_29 = arith.constant 2 : i32
    "tpu.region"() ({
      %run_scoped3A_31 = tpu.sem_alloc : memref<!tpu.dma_semaphore, #tpu.memory_space<semaphore_mem>>
      %dma_start3A_32 = arith.constant 0 : i32
      %dma_start3A_33 = tpu.memref_slice %arg5[%add3A, %run_scoped3A_29, %dma_start3A_32] : memref<32x4x10112xf32, #tpu.memory_space<hbm>> -> memref<1x1x10112xf32, #tpu.memory_space<hbm>>
      %dma_start3A_34 = tpu.memref_squeeze %dma_start3A_33 : memref<1x1x10112xf32, #tpu.memory_space<hbm>> -> memref<10112xf32, #tpu.memory_space<hbm>>
      %dma_start3A_35 = arith.constant 0 : i32
      %dma_start3A_36 = tpu.memref_slice %arg5[%add3A, %run_scoped3A_29, %dma_start3A_35] : memref<32x4x10112xf32, #tpu.memory_space<hbm>> -> memref<1x1x10112xf32, #tpu.memory_space<hbm>>
      %dma_start3A_37 = tpu.memref_squeeze %dma_start3A_36 : memref<1x1x10112xf32, #tpu.memory_space<hbm>> -> memref<10112xf32, #tpu.memory_space<hbm>>
      tpu.enqueue_dma source(%arg12 : memref<10112xf32, #tpu.memory_space<vmem>>) target(%dma_start3A_37 : memref<10112xf32, #tpu.memory_space<hbm>>) target_semaphore(%run_scoped3A_31 : memref<!tpu.dma_semaphore, #tpu.memory_space<semaphore_mem>>)
      %dma_wait3A = arith.constant 0 : i32
      %dma_wait3A_38 = tpu.memref_slice %arg5[%add3A, %run_scoped3A_29, %dma_wait3A] : memref<32x4x10112xf32, #tpu.memory_space<hbm>> -> memref<1x1x10112xf32, #tpu.memory_space<hbm>>
      %dma_wait3A_39 = tpu.memref_squeeze %dma_wait3A_38 : memref<1x1x10112xf32, #tpu.memory_space<hbm>> -> memref<10112xf32, #tpu.memory_space<hbm>>
      %dma_wait3A_40 = arith.constant 0 : i32
      %dma_wait3A_41 = tpu.memref_slice %arg5[%add3A, %run_scoped3A_29, %dma_wait3A_40] : memref<32x4x10112xf32, #tpu.memory_space<hbm>> -> memref<1x1x10112xf32, #tpu.memory_space<hbm>>
      %dma_wait3A_42 = tpu.memref_squeeze %dma_wait3A_41 : memref<1x1x10112xf32, #tpu.memory_space<hbm>> -> memref<10112xf32, #tpu.memory_space<hbm>>
      tpu.wait_dma2 semaphore(%run_scoped3A_31 : memref<!tpu.dma_semaphore, #tpu.memory_space<semaphore_mem>>) src(%arg12 : memref<10112xf32, #tpu.memory_space<vmem>>) dst(%dma_wait3A_42 : memref<10112xf32, #tpu.memory_space<hbm>>)
      tpu.yield
    }) : () -> ()
    %run_scoped3A_30 = arith.constant 3 : i32
    "tpu.region"() ({
      %run_scoped3A_31 = tpu.sem_alloc : memref<!tpu.dma_semaphore, #tpu.memory_space<semaphore_mem>>
      %dma_start3A_32 = arith.constant 0 : i32
      %dma_start3A_33 = tpu.memref_slice %arg5[%add3A, %run_scoped3A_30, %dma_start3A_32] : memref<32x4x10112xf32, #tpu.memory_space<hbm>> -> memref<1x1x10112xf32, #tpu.memory_space<hbm>>
      %dma_start3A_34 = tpu.memref_squeeze %dma_start3A_33 : memref<1x1x10112xf32, #tpu.memory_space<hbm>> -> memref<10112xf32, #tpu.memory_space<hbm>>
      %dma_start3A_35 = arith.constant 0 : i32
      %dma_start3A_36 = tpu.memref_slice %arg5[%add3A, %run_scoped3A_30, %dma_start3A_35] : memref<32x4x10112xf32, #tpu.memory_space<hbm>> -> memref<1x1x10112xf32, #tpu.memory_space<hbm>>
      %dma_start3A_37 = tpu.memref_squeeze %dma_start3A_36 : memref<1x1x10112xf32, #tpu.memory_space<hbm>> -> memref<10112xf32, #tpu.memory_space<hbm>>
      tpu.enqueue_dma source(%arg13 : memref<10112xf32, #tpu.memory_space<vmem>>) target(%dma_start3A_37 : memref<10112xf32, #tpu.memory_space<hbm>>) target_semaphore(%run_scoped3A_31 : memref<!tpu.dma_semaphore, #tpu.memory_space<semaphore_mem>>)
      %dma_wait3A = arith.constant 0 : i32
      %dma_wait3A_38 = tpu.memref_slice %arg5[%add3A, %run_scoped3A_30, %dma_wait3A] : memref<32x4x10112xf32, #tpu.memory_space<hbm>> -> memref<1x1x10112xf32, #tpu.memory_space<hbm>>
      %dma_wait3A_39 = tpu.memref_squeeze %dma_wait3A_38 : memref<1x1x10112xf32, #tpu.memory_space<hbm>> -> memref<10112xf32, #tpu.memory_space<hbm>>
      %dma_wait3A_40 = arith.constant 0 : i32
      %dma_wait3A_41 = tpu.memref_slice %arg5[%add3A, %run_scoped3A_30, %dma_wait3A_40] : memref<32x4x10112xf32, #tpu.memory_space<hbm>> -> memref<1x1x10112xf32, #tpu.memory_space<hbm>>
      %dma_wait3A_42 = tpu.memref_squeeze %dma_wait3A_41 : memref<1x1x10112xf32, #tpu.memory_space<hbm>> -> memref<10112xf32, #tpu.memory_space<hbm>>
      tpu.wait_dma2 semaphore(%run_scoped3A_31 : memref<!tpu.dma_semaphore, #tpu.memory_space<semaphore_mem>>) src(%arg13 : memref<10112xf32, #tpu.memory_space<vmem>>) dst(%dma_wait3A_42 : memref<10112xf32, #tpu.memory_space<hbm>>)
      tpu.yield
    }) : () -> ()
    return
  }
}

module attributes {stable_mosaic.version = 14 : i64} {
  func.func @_mm_body(%arg0: memref<10000x128xf32, #tpu.memory_space<vmem>>, %arg1: memref<128x128xf32, #tpu.memory_space<vmem>>, %arg2: memref<32x1x10112xf32, #tpu.memory_space<vmem>>, %arg3: memref<32x4x10112xf32, #tpu.memory_space<vmem>>) attributes {dimension_semantics = [], scalar_prefetch = 0 : i64, scratch_operands = 0 : i64, tpu.core_type = #tpu.core_type<tc>} {
    %get3A = arith.constant 0 : index
    %get3A_0 = arith.constant 0 : index
    %get3A_1 = arith.constant 0 : index
    %get3A_2 = vector.load %arg2[%get3A, %get3A_0, %get3A_1] : memref<32x1x10112xf32, #tpu.memory_space<vmem>>, vector<32x1x10112xf32>
    %squeeze3A = vector.shape_cast %get3A_2 : vector<32x1x10112xf32> to vector<32x10112xf32>
    %reduce_sum3A = arith.constant dense<0.000000e+00> : vector<10112xf32>
    %reduce_sum3A_3 = vector.multi_reduction <add>, %squeeze3A, %reduce_sum3A [0] : vector<32x10112xf32> to vector<10112xf32>
    %max3A = arith.constant 1.000000e+00 : f32
    %max3A_4 = vector.broadcast %max3A : f32 to vector<10112xf32>
    %max3A_5 = arith.maximumf %reduce_sum3A_3, %max3A_4 : vector<10112xf32>
    %rsqrt3A = math.rsqrt %max3A_5 : vector<10112xf32>
    %get3A_6 = arith.constant 0 : index
    %get3A_7 = arith.constant 0 : index
    %get3A_8 = vector.load %arg0[%get3A_6, %get3A_7] : memref<10000x128xf32, #tpu.memory_space<vmem>>, vector<10000x128xf32>
    %get3A_9 = arith.constant 0 : index
    %get3A_10 = arith.constant 0 : index
    %get3A_11 = vector.load %arg1[%get3A_9, %get3A_10] : memref<128x128xf32, #tpu.memory_space<vmem>>, vector<128x128xf32>
    %dot_general3A = arith.constant dense<0.000000e+00> : vector<10000x128xf32>
    %dot_general3A_12 = tpu.matmul %get3A_8, %get3A_11, %dot_general3A {dimension_numbers = #tpu.dot_dimension_numbers<[1], [0], [0], [1], [0, 0, 1, 1], [], []>, transpose_lhs_hint = false} : vector<10000x128xf32>, vector<128x128xf32>, vector<10000x128xf32> -> vector<10000x128xf32>
    %slice3A = vector.extract_strided_slice %rsqrt3A {offsets = [0], sizes = [10000], strides = [1]} : vector<10112xf32> to vector<10000xf32>
    %broadcast_in_dim3A = vector.shape_cast %slice3A : vector<10000xf32> to vector<10000x1xf32>
    %mul3A = vector.broadcast %broadcast_in_dim3A : vector<10000x1xf32> to vector<10000x128xf32>
    %mul3A_13 = arith.mulf %dot_general3A_12, %mul3A : vector<10000x128xf32>
    %transpose3A = tpu.transpose %mul3A_13, [1, 0] : vector<10000x128xf32> -> vector<128x10000xf32>
    %broadcast_in_dim3A_14 = arith.constant 0.000000e+00 : f32
    %broadcast_in_dim3A_15 = vector.broadcast %broadcast_in_dim3A_14 : f32 to vector<128x112xf32>
    %concatenate3A = tpu.concatenate %transpose3A, %broadcast_in_dim3A_15 in 1 : vector<128x10000xf32>, vector<128x112xf32> -> vector<128x10112xf32>
    %reshape3A = vector.shape_cast %concatenate3A : vector<128x10112xf32> to vector<32x4x10112xf32>
    %swap3A = arith.constant 0 : index
    %swap3A_16 = arith.constant 0 : index
    %swap3A_17 = arith.constant 0 : index
    %swap3A_18 = vector.load %arg3[%swap3A, %swap3A_16, %swap3A_17] : memref<32x4x10112xf32, #tpu.memory_space<vmem>>, vector<32x4x10112xf32>
    tpu.vector_store %arg3[%swap3A, %swap3A_16, %swap3A_17], %reshape3A {strides = array<i32>} : memref<32x4x10112xf32, #tpu.memory_space<vmem>>, vector<32x4x10112xf32>,
    return
  }
}

module attributes {stable_mosaic.version = 14 : i64} {
  func.func @_fin_body(%arg0: memref<32x4x10112xf32, #tpu.memory_space<vmem>>, %arg1: memref<32x1x10112xf32, #tpu.memory_space<vmem>>, %arg2: memref<1x128xf32, #tpu.memory_space<vmem>>, %arg3: memref<10000x128xf32, #tpu.memory_space<vmem>>) attributes {dimension_semantics = [], scalar_prefetch = 0 : i64, scratch_operands = 0 : i64, tpu.core_type = #tpu.core_type<tc>} {
    %get3A = arith.constant 0 : index
    %get3A_0 = arith.constant 0 : index
    %get3A_1 = arith.constant 0 : index
    %get3A_2 = vector.load %arg1[%get3A, %get3A_0, %get3A_1] : memref<32x1x10112xf32, #tpu.memory_space<vmem>>, vector<32x1x10112xf32>
    %squeeze3A = vector.shape_cast %get3A_2 : vector<32x1x10112xf32> to vector<32x10112xf32>
    %reduce_sum3A = arith.constant dense<0.000000e+00> : vector<10112xf32>
    %reduce_sum3A_3 = vector.multi_reduction <add>, %squeeze3A, %reduce_sum3A [0] : vector<32x10112xf32> to vector<10112xf32>
    %max3A = arith.constant 1.000000e+00 : f32
    %max3A_4 = vector.broadcast %max3A : f32 to vector<10112xf32>
    %max3A_5 = arith.maximumf %reduce_sum3A_3, %max3A_4 : vector<10112xf32>
    %rsqrt3A = math.rsqrt %max3A_5 : vector<10112xf32>
    %get3A_6 = arith.constant 0 : index
    %get3A_7 = arith.constant 0 : index
    %get3A_8 = arith.constant 0 : index
    %get3A_9 = vector.load %arg0[%get3A_6, %get3A_7, %get3A_8] : memref<32x4x10112xf32, #tpu.memory_space<vmem>>, vector<32x4x10112xf32>
    %reshape3A = vector.shape_cast %get3A_9 : vector<32x4x10112xf32> to vector<128x10112xf32>
    %slice3A = vector.extract_strided_slice %reshape3A {offsets = [0, 0], sizes = [128, 10000], strides = [1, 1]} : vector<128x10112xf32> to vector<128x10000xf32>
    %transpose3A = tpu.transpose %slice3A, [1, 0] : vector<128x10000xf32> -> vector<10000x128xf32>
    %slice3A_10 = vector.extract_strided_slice %rsqrt3A {offsets = [0], sizes = [10000], strides = [1]} : vector<10112xf32> to vector<10000xf32>
    %broadcast_in_dim3A = vector.shape_cast %slice3A_10 : vector<10000xf32> to vector<10000x1xf32>
    %mul3A = vector.broadcast %broadcast_in_dim3A : vector<10000x1xf32> to vector<10000x128xf32>
    %mul3A_11 = arith.mulf %transpose3A, %mul3A : vector<10000x128xf32>
    %get3A_12 = arith.constant 0 : index
    %get3A_13 = arith.constant 0 : index
    %get3A_14 = vector.load %arg2[%get3A_12, %get3A_13] : memref<1x128xf32, #tpu.memory_space<vmem>>, vector<1x128xf32>
    %add3A = vector.broadcast %get3A_14 : vector<1x128xf32> to vector<10000x128xf32>
    %add3A_15 = arith.addf %mul3A_11, %add3A : vector<10000x128xf32>
    %swap3A = arith.constant 0 : index
    %swap3A_16 = arith.constant 0 : index
    %swap3A_17 = vector.load %arg3[%swap3A, %swap3A_16] : memref<10000x128xf32, #tpu.memory_space<vmem>>, vector<10000x128xf32>
    tpu.vector_store %arg3[%swap3A, %swap3A_16], %add3A_15 {strides = array<i32>} : memref<10000x128xf32, #tpu.memory_space<vmem>>, vector<10000x128xf32>,
    return
  }
}

</mosaic_0001>

<sc_bundles>
// kernel: kernel.6.cloned.1.call-start
scs
__scs_entry_jumppad:
0x0: {  	(pc) =	sbr.rel $0x88, $3  }
0x1: {  	(tag) =	ssettag $0x0;
	lr =	simm.s32 $0x1  }
0x2: {  	[smem:$0x3F9D] =	sst lr;
	_ =	strace $0xD0000000  }
0x3: {  	_ = 	snop  }
0x4: {  	_ = 	snop  }
0x5: {  	_ = 	snop  }
0x6: {  	_ = 	snop  }
0x7: {  	_ = 	snop  }
__scs_overlays_trampoline_lowered:
0x8: {  	[smem:$0x3FAC] =	sst s0  }
0x9: {  	[smem:$0x3FAD] =	sst s1  }
0xa: {  	[smem:$0x3FAE] =	sst s2  }
0xb: {  	[smem:$0x3FAF] =	sst s3  }
0xc: {  	[smem:$0x3FB0] =	sst s4  }
0xd: {  	[smem:$0x3FB1] =	sst s5  }
0xe: {  	[smem:$0x3FB2] =	sst s6  }
0xf: {  	[smem:$0x3FB3] =	sst s7  }
0x10: {  	[smem:$0x3FB4] =	sst s8  }
0x11: {  	[smem:$0x3FB5] =	sst s9;
	s0 =	simm.s32 @!p0 $0x0  }
0x12: {  	s1 =	sld [smem:$0x3F9B];
	s0 =	simm.s32 @p0 $0x1  }
0x13: {  	[smem:$0x3FB6] =	sst s0;
	s0 =	simm.s32 @!p1 $0x0  }
0x14: {  	s2 =	sld [smem:$0x3F9A];
	s0 =	simm.s32 @p1 $0x1  }
0x15: {  	[smem:$0x3FB7] =	sst s0;
	s0 =	simm.s32 @!p2 $0x0  }
0x16: {  	s3 =	sld [smem:$0x3FDB];
	s0 =	simm.s32 @p2 $0x1  }
0x17: {  	s4 =	simm.s32 $0x1BF5;
	[smem:$0x3FB9] =	sst s0  }
0x18: {  	s0 =	sld [smem:$0x3F9C];
	_ =	swait.ge [sflag:s4], $0x0  }
0x19: {  	s7 =	sld [smem:$0x3F9D]  }
0x1a: {  	s8 =	sadd.s32 $0xFFFFE003, lr  }
0x1b: {  	s9 =	sadd.s32 $0xFFFFFEF7, lr;
	s5 =	simm.s32 $0xFFFFFFFF;
	p2 =	slt.u32 s8, $0xFFFFF086  }
0x1c: {  	p1 =	slt.u32 s9, $0xF7A;
	s5 =	simm.s32 @!p2 $0x0  }
0x1d: {  	s5 =	simm.s32 @p1 $0x1;
	p0 =	seq.s32 s7, s2  }
0x1e: {  	s7 =	smul.u32 @!p0 $0xF7A, s2;
	p2 =	seq.s32 @!p0 s5, $0x0  }
0x1f: {  	s9 =	smul.u32 $0xF7A, s1;
	s8 =	simm.s32 @!p0 $0x1BF5;
	p2 =	por !p2, p0  }
0x20: {  	[sflag:s8] =	ssyncset.s32 @!p0 $0xFFFFF086;
	s6 =	sadd.s32 @!p0 s3, s7;
	s7 =	simm.s32 @!p0 $0x108  }
0x21: {  	s3 =	sadd.s32 s3, s9;
	s6 =	sadd.s32 @!p0 $0x88, s6;
	s7 =	simm.s32 @p2 $0x1082  }
0x22: {  	[simem:s7], [sflag:s8] =	dma.local @!p0 [hbm:s6], $0xF7A  }
0x23: {  	s9 =	sor.u32 $0xD0000000, s2;
	s6 =	simm.s32 $0x108;
	_ =	swait.ge @!p0 [sflag:s8], $0x0  }
0x24: {  	s3 =	sadd.s32 $0x88, s3;
	s6 =	simm.s32 @!p1 $0x1082;
	[sflag:s4] =	ssyncset.s32 $0xFFFFF086  }
0x25: {  	[simem:s6], [sflag:s4] =	dma.local [hbm:s3], $0xF7A  }
0x26: {  	[smem:$0x3F9D] =	sst s1;
	(tag) =	ssettag s2;
	_ =	strace s9  }
0x27: {  	s1 =	sld [smem:$0x3FAD]  }
0x28: {  	s2 =	sld [smem:$0x3FAE]  }
0x29: {  	s4 =	sld [smem:$0x3FB0]  }
0x2a: {  	p0 =	seq.s32 s5, $0x0;
	s5 =	sld [smem:$0x3FB1]  }
0x2b: {  	s6 =	sld [smem:$0x3FB2]  }
0x2c: {  	s7 =	sld [smem:$0x3FB3]  }
0x2d: {  	s3 =	simm.s32 $0x108;
	s8 =	sld [smem:$0x3FB4]  }
0x2e: {  	s3 =	simm.s32 @!p0 $0x1082;
	s9 =	sld [smem:$0x3FB5]  }
0x2f: {  	lr =	sadd.s32 s0, s3;
	s0 =	sld [smem:$0x3FAC]  }
0x30: {  	s3 =	sld [smem:$0x3FAF]  }
0x31: {  	[smem:$0x3FB8] =	sst s10  }
0x32: {  	s10 =	sld [smem:$0x3FB6];
	_ =	sdelay $0x3  }
0x33: {  	p0 =	seq.s32 s10, $0x1;
	s10 =	sld [smem:$0x3FB8];
	_ =	sdelay $0x3  }
0x34: {  	[smem:$0x3FB8] =	sst s10  }
0x35: {  	s10 =	sld [smem:$0x3FB7];
	_ =	sdelay $0x3  }
0x36: {  	p1 =	seq.s32 s10, $0x1;
	s10 =	sld [smem:$0x3FB8];
	_ =	sdelay $0x3  }
0x37: {  	[smem:$0x3FB8] =	sst s10  }
0x38: {  	s10 =	sld [smem:$0x3FB9]  }
0x39: {  	_ = 	snop;
	(pc) =	sbr.ind lr, $3  }
0x3a: {  	_ = 	snop  }
0x3b: {  	_ = 	snop  }
0x3c: {  	p2 =	seq.s32 s10, $0x1;
	s10 =	sld [smem:$0x3FB8]  }
0x3d: {  	_ =	shalt  }
0x3e: {  	_ =	shalt  }
0x3f: {  	_ =	shalt  }
0x40: {  	_ =	shalt  }
0x41: {  	_ =	shalt  }
0x42: {  	_ =	shalt  }
0x43: {  	_ =	shalt  }
0x44: {  	_ =	shalt  }
0x45: {  	_ =	shalt  }
0x46: {  	_ =	shalt  }
0x47: {  	_ =	shalt  }
0x48: {  	_ =	shalt  }
0x49: {  	_ =	shalt  }
0x4a: {  	_ =	shalt  }
0x4b: {  	_ =	shalt  }
0x4c: {  	_ =	shalt  }
0x4d: {  	_ =	shalt  }
0x4e: {  	_ =	shalt  }
0x4f: {  	_ =	shalt  }
0x50: {  	_ =	shalt  }
0x51: {  	_ =	shalt  }
0x52: {  	_ =	shalt  }
0x53: {  	_ =	shalt  }
0x54: {  	_ =	shalt  }
0x55: {  	_ =	shalt  }
0x56: {  	_ =	shalt  }
0x57: {  	_ =	shalt  }
0x58: {  	_ =	shalt  }
0x59: {  	_ =	shalt  }
0x5a: {  	_ =	shalt  }
0x5b: {  	_ =	shalt  }
0x5c: {  	_ =	shalt  }
0x5d: {  	_ =	shalt  }
0x5e: {  	_ =	shalt  }
0x5f: {  	_ =	shalt  }
0x60: {  	_ =	shalt  }
0x61: {  	_ =	shalt  }
0x62: {  	_ =	shalt  }
0x63: {  	_ =	shalt  }
0x64: {  	_ =	shalt  }
0x65: {  	_ =	shalt  }
0x66: {  	_ =	shalt  }
0x67: {  	_ =	shalt  }
0x68: {  	_ =	shalt  }
0x69: {  	_ =	shalt  }
0x6a: {  	_ =	shalt  }
0x6b: {  	_ =	shalt  }
0x6c: {  	_ =	shalt  }
0x6d: {  	_ =	shalt  }
0x6e: {  	_ =	shalt  }
0x6f: {  	_ =	shalt  }
0x70: {  	_ =	shalt  }
0x71: {  	_ =	shalt  }
0x72: {  	_ =	shalt  }
0x73: {  	_ =	shalt  }
0x74: {  	_ =	shalt  }
0x75: {  	_ =	shalt  }
0x76: {  	_ =	shalt  }
0x77: {  	_ =	shalt  }
0x78: {  	_ =	shalt  }
0x79: {  	_ =	shalt  }
0x7a: {  	_ =	shalt  }
0x7b: {  	_ =	shalt  }
0x7c: {  	_ =	shalt  }
0x7d: {  	_ =	shalt  }
0x7e: {  	_ =	shalt  }
0x7f: {  	_ =	shalt  }
0x80: {  	_ =	shalt  }
0x81: {  	_ =	shalt  }
0x82: {  	_ =	shalt  }
0x83: {  	_ =	shalt  }
0x84: {  	_ =	shalt  }
0x85: {  	_ =	shalt  }
0x86: {  	_ =	shalt  }
0x87: {  	_ =	shalt  }
.Lfunc_end0:
.L_simem_size_0:
called_computation_lowered:
.L_overlay_start_0:
0x88: {  	s2 =	sld [smem:$0x3FD9]  }
0x89: {  	s3 =	sld [smem:$0x3FFE];
	_ =	sdelay $0x1  }
0x8a: {  	s1 =	srdreg.scid  }
0x8b: {  	s0 =	sand.u32 $0x1, s1  }
0x8c: {  	s17 =	sshll.u32 s0, $0xA;
	s2 =	sadd.s32 s3, s2  }
0x8d: {  	s2 =	sadd.s32 s2, s17  }
0x8e: {  	[smem:$0x3FC4] =	sst s2  }
0x8f: {  	_ = 	snop  }
0x90: {  	s2 =	sld [smem:$0x3FD0];
	(tm) =	ssettm $0x1  }
0x91: {  	s18 =	sld [smem:$0x3FFB];
	_ =	sdelay $0x3  }
0x92: {  	_ =	strace s18  }
0x93: {  	s3 =	sld [smem:$0x3FFC];
	_ =	sdelay $0x3  }
0x94: {  	_ =	strace s3  }
0x95: {  	s3 =	sld [smem:$0x3FFD];
	_ =	sdelay $0x3  }
0x96: {  	_ =	strace s3  }
0x97: {  	_ =	strace $0x8FFFFFFF  }
0x98: {  	s19 =	sld [smem:$0x3FDB];
	_ =	sdelay $0x1  }
0x99: {  	s4 =	simm.s32 $_scs_section_size  }
0x9a: {  	s5 =	simm.s32 $_size__tile_overlayer_lowered;
	s6 =	simm.s32 $_tile_overlayer_lowered  }
0x9b: {  	s22 =	simm.s32 $0x1BFF;
	s21 =	sshll.u32 s6, $0x1;
	s3 =	sadd.s32 s4, s19  }
0x9c: {  	s7 =	simm.s32 $0x0;
	s20 =	sshll.u32 s5, $0x1;
	s5 =	sadd.s32 s21, s3  }
0x9d: {  	[timem:s7], [sflag:s22] =	dma.local [hbm:s5], s20  }
0x9e: {  	_ =	swait.ge [sflag:s22], s20  }
0x9f: {  	s4 =	ssub.s32 $0x0, s20;
	[sflag:s22] =	ssyncset.done $0x0  }
0xa0: {  	[sflag:s22] =	ssyncadd.s32 s4;
	_ =	sdelay $0x1  }
0xa1: {  	s23 =	simm.s32 $0x1B8B  }
0xa2: {  	_ =	swait.ge [sflag:s23], $0x1  }
0xa3: {  	[sflag:s23] =	ssyncset.done $0x0  }
0xa4: {  	s25 =	simm.s32 $0x1B8E;
	s24 =	sld [smem:$0x3FFE];
	[sflag:s23] =	ssyncadd.s32 $0xFFFFFFFF  }
0xa5: {  	s26 =	simm.s32 $execute0_lowered;
	[smem:$0x3FD2] =	sst s25  }
0xa6: {  	s5 =	sshll.u32 s26, $0x1;
	_ =	strace $0x80000046;
	[dreg:$0x1] =	wrdreg $0xFFFFFFFF  }
0xa7: {  	s28 =	simm.s32 $_size_execute0_lowered;
	s3 =	sadd.s32 s3, s5;
	[dreg:$0x0] =	wrdreg $0x0  }
0xa8: {  	s5 =	sshll.u32 s28, $0x1;
	[dreg:$0x2] =	wrdreg s3  }
0xa9: {  	[dreg:$0x3] =	wrdreg s5  }
0xaa: {  	[dreg:$0x4] =	wrdreg $0xC0  }
0xab: {  	_ =	task [dreg:s7], $0x5FFFF  }
0xac: {  	[dreg:$0x1] =	wrdreg $0xFFFFFFFF  }
0xad: {  	[dreg:$0x0] =	wrdreg $0x60  }
0xae: {  	[dreg:$0x2] =	wrdreg s24  }
0xaf: {  	[dreg:$0x3] =	wrdreg s2  }
0xb0: {  	[dreg:$0x4] =	wrdreg $0x9  }
0xb1: {  	_ =	task.clear_ibuf [dreg:s7], $0x5FFFF;
	_ =	strace $0x90000046  }
0xb2: {  	s29 =	simm.s32 $0x9;
	_ =	strace $0x80000048  }
0xb3: {  	_ =	swait.ge [sflag:s29], $0x1  }
0xb4: {  	[sflag:s29] =	ssyncadd.s32 $0xFFFFFFFF  }
0xb5: {  	_ =	strace $0x90000048  }
0xb6: {  	_ =	sfence  }
0xb7: {  	s30 =	sld [smem:$0x0];
	_ =	sdelay $0x2  }
0xb8: {  	s31 =	sshll.u32 s1, $0xD;
	s1 =	sshrl.u32 s1, $0x2  }
0xb9: {  	s3 =	sand.u32 $0x4000, s31;
	s1 =	sadd.s32 s1, s30  }
0xba: {  	s0 =	sor.u32 s3, s0;
	s1 =	sshll.u32 s1, $0x11  }
0xbb: {  	s0 =	sor.u32 s1, s0  }
0xbc: {  	s0 =	sadd.s32 $0x8F2B, s0  }
0xbd: {  	[sflag:s0] =	ssyncadd.remote.s32 $0x1  }
0xbe: {  	_ =	sfence.sel $0xFFFF  }
0xbf: {  	[dreg:$0x0] =	wrdreg $0xFFFFFFFF;
	(pc) =	sbr.abs _section_cstart, $3  }
0xc0: {  	[dreg:$0x1] =	wrdreg $0xFFFFFFFF  }
0xc1: {  	_ =	task.clear_ibuf [dreg:s7], $0x2FFFF;
	_ =	strace $0x9FFFFFFF  }
0xc2: {  	(tm) =	ssettm $0x7FFFFFFF  }
0xc3: {  	_ =	shalt  }
tec
execute0_lowered:
.L_overlay_start_1:
0x0: {  	(tag) =	ssettag $0x1  }
0x1: {  	s0 =	srdreg.scid  }
0x2: {  	s3 =	rddreg [dreg:$0x0];
	s4 =	sand.u32 $0x1, s0  }
0x3: {  	s5 =	rddreg [dreg:$0x1];
	s1 =	stileid.u32;
	s2 =	sshll.u32 s4, $0x4  }
0x4: {  	s0 =	rddreg [dreg:$0x2];
	s6 =	sor.u32 s1, s2  }
0x5: {  	s4 =	ssub.s32 $0x2, s4;
	s2 =	simm.s32 $0x0;
	s7 =	smul.u32 $0x4E2, s6  }
0x6: {  	s8 =	sshrl.u32 s4, $0x1;
	[smem:$0x7FF] =	sst s2;
	s6 =	smul.u32 $0x4F0, s6  }
0x7: {  	s31 =	ssub.s32 s4, s8;
	s8 =	simm.s32 $0x0;
	_ =	strace $0x80000047  }
0x8: {  	s3 =	sadd.s32 s7, s3;
	s4 =	sadd.s32 s5, s6;
	s5 =	smax.u32 s31, $0x1  }
0x9: {  	v0 =	vimm.f32 $0.0e+00;
	v1 =	vimm.f32 $1.000000000e+00;
	s6 =	simm.s32 $0x1;
	s7 =	simm.s32 $0x2780;
	s3 =	sadd.s32 $0xB000, s3  }
.LBB2_1:
0xa: {  	[tilespmem:s2], [sflag:$0x1] =	stream.linear.gather [hbm4b:s3+s2], $0x2710, $0x38;
	[tilespmem:$0x4F00] =	vst v63  }
0xb: {  	_ =	swait.ge [sflag:s6], $0x2710  }
0xc: {  	[sflag:s6] =	ssyncset.done $0x0  }
0xd: {  	s10 =	simm.s32 $0x27C0;
	[sflag:s6] =	ssyncadd.s32 $0xFFFFD8F0  }
0xe: {  	[tilespmem:s10+$0xFFFFFFC0] =	vst v0  }
0xf: {  	[tilespmem:s10+$0x30] =	vst v0  }
0x10: {  	[tilespmem:s10+$0x20] =	vst v0  }
0x11: {  	[tilespmem:s10+$0x10] =	vst v0  }
0x12: {  	[tilespmem:s10+$0x0] =	vst v0  }
0x13: {  	[tilespmem:s10+$0xFFFFFFF0] =	vst v0  }
0x14: {  	s11 =	simm.s32 $0x0;
	[tilespmem:s10+$0xFFFFFFE0] =	vst v0  }
.LBB2_2:
0x15: {  	s11 =	sadd.s32 $0x8, s11;
	[tilespmem:s10+$0xFFFFFFD0] =	vst v0;
	s10 =	sadd.s32 $0x80, s10;
	s9 =	simm.s32 $0x40  }
0x16: {  	[tilespmem:s10+$0xFFFFFFC0] =	vst v0;
	p0 =	slt.u32 s11, $0x270  }
0x17: {  	[tilespmem:s10+$0x30] =	vst v0  }
.Ltmp0:
0x18: {  	[tilespmem:s10+$0x20] =	vst v0;
	(pc) =	sbr.rel @p0 .LBB2_2-.Ltmp0, $4  }
0x19: {  	[tilespmem:s10+$0x10] =	vst v0  }
0x1a: {  	[tilespmem:s10+$0x0] =	vst v0  }
0x1b: {  	[tilespmem:s10+$0xFFFFFFF0] =	vst v0  }
0x1c: {  	[tilespmem:s10+$0xFFFFFFE0] =	vst v0  }
0x1d: {  	[tilespmem:s10+$0xFFFFFFD0] =	vst v0  }
0x1e: {  	v3 =	vld [tilespmem:s9+$0xFFFFFFC0]  }
0x1f: {  	v4 =	vld [tilespmem:s9+$0x30]  }
0x20: {  	v5 =	vld [tilespmem:s9+$0x20]  }
0x21: {  	v6 =	vld [tilespmem:s9+$0x10]  }
0x22: {  	v7 =	vld [tilespmem:s9+$0x0]  }
0x23: {  	v8 =	vld [tilespmem:s9+$0xFFFFFFF0]  }
0x24: {  	v9 =	vld [tilespmem:s9+$0xFFFFFFE0]  }
0x25: {  	v2 =	vld [tilespmem:s9+$0xFFFFFFD0]  }
0x26: {  	[tilespmem:v3+s7+$0x0] =	vst.idx.add.f32.msk $0xffff, v1  }
0x27: {  	[tilespmem:v4+s7+$0x0] =	vst.idx.add.f32.msk $0xffff, v1  }
0x28: {  	[tilespmem:v5+s7+$0x0] =	vst.idx.add.f32.msk $0xffff, v1  }
0x29: {  	[tilespmem:v6+s7+$0x0] =	vst.idx.add.f32.msk $0xffff, v1  }
0x2a: {  	[tilespmem:v7+s7+$0x0] =	vst.idx.add.f32.msk $0xffff, v1  }
0x2b: {  	[tilespmem:v8+s7+$0x0] =	vst.idx.add.f32.msk $0xffff, v1  }
0x2c: {  	s10 =	simm.s32 $0x0;
	[tilespmem:v9+s7+$0x0] =	vst.idx.add.f32.msk $0xffff, v1  }
.LBB2_4:
0x2d: {  	s10 =	sadd.s32 $0x8, s10;
	[tilespmem:v2+s7+$0x0] =	vst.idx.add.f32.msk $0xffff, v1;
	s9 =	sadd.s32 $0x80, s9  }
0x2e: {  	v3 =	vld [tilespmem:s9+$0xFFFFFFC0];
	p0 =	slt.u32 s10, $0x268  }
0x2f: {  	v4 =	vld [tilespmem:s9+$0x30]  }
0x30: {  	v5 =	vld [tilespmem:s9+$0x20]  }
0x31: {  	v6 =	vld [tilespmem:s9+$0x10]  }
0x32: {  	v7 =	vld [tilespmem:s9+$0x0]  }
0x33: {  	v8 =	vld [tilespmem:s9+$0xFFFFFFF0]  }
0x34: {  	v9 =	vld [tilespmem:s9+$0xFFFFFFE0]  }
0x35: {  	v2 =	vld [tilespmem:s9+$0xFFFFFFD0]  }
0x36: {  	[tilespmem:v3+s7+$0x0] =	vst.idx.add.f32.msk $0xffff, v1  }
0x37: {  	[tilespmem:v4+s7+$0x0] =	vst.idx.add.f32.msk $0xffff, v1  }
.Ltmp1:
0x38: {  	[tilespmem:v5+s7+$0x0] =	vst.idx.add.f32.msk $0xffff, v1;
	(pc) =	sbr.rel @p0 .LBB2_4-.Ltmp1, $4  }
0x39: {  	[tilespmem:v6+s7+$0x0] =	vst.idx.add.f32.msk $0xffff, v1  }
0x3a: {  	[tilespmem:v7+s7+$0x0] =	vst.idx.add.f32.msk $0xffff, v1  }
0x3b: {  	[tilespmem:v8+s7+$0x0] =	vst.idx.add.f32.msk $0xffff, v1  }
0x3c: {  	[tilespmem:v9+s7+$0x0] =	vst.idx.add.f32.msk $0xffff, v1  }
0x3d: {  	_ =	sdelay $0x3  }
0x3e: {  	[tilespmem:v2+s7+$0x0] =	vst.idx.add.f32.msk $0xffff, v1  }
0x3f: {  	v2 =	vld [tilespmem:$0x2700];
	_ =	sdelay $0x5  }
0x40: {  	s8 =	sadd.s32 $0x1, s8  }
0x41: {  	p0 =	sne.s32 s8, s5  }
.Ltmp2:
0x42: {  	[tilespmem:v2+s7+$0x0] =	vst.idx.add.f32.msk $0xffff, v1;
	(pc) =	sbr.rel @p0 .LBB2_1-.Ltmp2, $4  }
0x43: {  	[hbm4b:s4+s2] =	stream.linear.scatter [tilespmem:s7], [sflag:$0x1], $0x2780, $0x38;
	[tilespmem:$0x4F00] =	vst v63  }
0x44: {  	_ =	swait.ge [sflag:s6], $0x2780  }
0x45: {  	[sflag:s6] =	ssyncset.done $0x0  }
0x46: {  	[sflag:s6] =	ssyncadd.s32 $0xFFFFD880  }
0x47: {  	_ =	sfence.sel $0x180000  }
0x48: {  	[bflag:$0x0] =	sbarrier.arrive $0xFFFF  }
0x49: {  	p0 =	sne.s32 s1, $0x0;
	_ =	strace $0x90000047  }
0x4a: {  	s0 =	sadd.s32 @!p0 $0x100000, s0;
	[bflag:$0x2] =	sbarrier.arrive $0xFFFF  }
0x4b: {  	[sflag:s0] =	ssyncadd.tile.s32 @!p0 $0x1;
	_ =	shalt  }
.Lfunc_end2:
_tile_overlayer_lowered:
.L_overlay_start_2:
0x4c: {  	(tag) =	ssettag $0x2  }
0x4d: {  	s0 =	rddreg [dreg:$0x0];
	s2 =	stileid.u32  }
0x4e: {  	s1 =	rddreg [dreg:$0x1];
	p0 =	sne.s32 s2, $0x0  }
0x4f: {  	s3 =	rddreg [dreg:$0x2];
	[bflag:$0x3] =	sbarrier.arrive $0xFFFF;
	s2 =	simm.s32 @!p0 $0x1C01  }
0x50: {  	[timem:s3], [sflag:s2] =	dma.local @!p0 [hbm:s0], s1  }
0x51: {  	s0 =	simm.s32 @!p0 $0x1  }
0x52: {  	_ =	swait.ge @!p0 [sflag:s0], s1  }
0x53: {  	s1 =	ssub.s32 @!p0 $0x0, s1;
	[sflag:s0] =	ssyncset.done @!p0 $0x0  }
0x54: {  	[sflag:s0] =	ssyncadd.s32 @!p0 s1  }
0x55: {  	[bflag:$0x3] =	sbarrier.arrive $0xFFFF  }
0x56: {  	_ =	shalt  }

// kernel: kernel.9.cloned.1.call-start
scs
__scs_entry_jumppad:
0x0: {  	(pc) =	sbr.rel $0x88, $3  }
0x1: {  	(tag) =	ssettag $0x0;
	lr =	simm.s32 $0x1  }
0x2: {  	[smem:$0x3F9D] =	sst lr;
	_ =	strace $0xD0000000  }
0x3: {  	_ = 	snop  }
0x4: {  	_ = 	snop  }
0x5: {  	_ = 	snop  }
0x6: {  	_ = 	snop  }
0x7: {  	_ = 	snop  }
__scs_overlays_trampoline_lowered:
0x8: {  	[smem:$0x3FAC] =	sst s0  }
0x9: {  	[smem:$0x3FAD] =	sst s1  }
0xa: {  	[smem:$0x3FAE] =	sst s2  }
0xb: {  	[smem:$0x3FAF] =	sst s3  }
0xc: {  	[smem:$0x3FB0] =	sst s4  }
0xd: {  	[smem:$0x3FB1] =	sst s5  }
0xe: {  	[smem:$0x3FB2] =	sst s6  }
0xf: {  	[smem:$0x3FB3] =	sst s7  }
0x10: {  	[smem:$0x3FB4] =	sst s8  }
0x11: {  	[smem:$0x3FB5] =	sst s9;
	s0 =	simm.s32 @!p0 $0x0  }
0x12: {  	s1 =	sld [smem:$0x3F9B];
	s0 =	simm.s32 @p0 $0x1  }
0x13: {  	[smem:$0x3FB6] =	sst s0;
	s0 =	simm.s32 @!p1 $0x0  }
0x14: {  	s2 =	sld [smem:$0x3F9A];
	s0 =	simm.s32 @p1 $0x1  }
0x15: {  	[smem:$0x3FB7] =	sst s0;
	s0 =	simm.s32 @!p2 $0x0  }
0x16: {  	s3 =	sld [smem:$0x3FDB];
	s0 =	simm.s32 @p2 $0x1  }
0x17: {  	s4 =	simm.s32 $0x1BF5;
	[smem:$0x3FB9] =	sst s0  }
0x18: {  	s0 =	sld [smem:$0x3F9C];
	_ =	swait.ge [sflag:s4], $0x0  }
0x19: {  	s7 =	sld [smem:$0x3F9D]  }
0x1a: {  	s8 =	sadd.s32 $0xFFFFE003, lr  }
0x1b: {  	s9 =	sadd.s32 $0xFFFFFEF7, lr;
	s5 =	simm.s32 $0xFFFFFFFF;
	p2 =	slt.u32 s8, $0xFFFFF086  }
0x1c: {  	p1 =	slt.u32 s9, $0xF7A;
	s5 =	simm.s32 @!p2 $0x0  }
0x1d: {  	s5 =	simm.s32 @p1 $0x1;
	p0 =	seq.s32 s7, s2  }
0x1e: {  	s7 =	smul.u32 @!p0 $0xF7A, s2;
	p2 =	seq.s32 @!p0 s5, $0x0  }
0x1f: {  	s9 =	smul.u32 $0xF7A, s1;
	s8 =	simm.s32 @!p0 $0x1BF5;
	p2 =	por !p2, p0  }
0x20: {  	[sflag:s8] =	ssyncset.s32 @!p0 $0xFFFFF086;
	s6 =	sadd.s32 @!p0 s3, s7;
	s7 =	simm.s32 @!p0 $0x108  }
0x21: {  	s3 =	sadd.s32 s3, s9;
	s6 =	sadd.s32 @!p0 $0x88, s6;
	s7 =	simm.s32 @p2 $0x1082  }
0x22: {  	[simem:s7], [sflag:s8] =	dma.local @!p0 [hbm:s6], $0xF7A  }
0x23: {  	s9 =	sor.u32 $0xD0000000, s2;
	s6 =	simm.s32 $0x108;
	_ =	swait.ge @!p0 [sflag:s8], $0x0  }
0x24: {  	s3 =	sadd.s32 $0x88, s3;
	s6 =	simm.s32 @!p1 $0x1082;
	[sflag:s4] =	ssyncset.s32 $0xFFFFF086  }
0x25: {  	[simem:s6], [sflag:s4] =	dma.local [hbm:s3], $0xF7A  }
0x26: {  	[smem:$0x3F9D] =	sst s1;
	(tag) =	ssettag s2;
	_ =	strace s9  }
0x27: {  	s1 =	sld [smem:$0x3FAD]  }
0x28: {  	s2 =	sld [smem:$0x3FAE]  }
0x29: {  	s4 =	sld [smem:$0x3FB0]  }
0x2a: {  	p0 =	seq.s32 s5, $0x0;
	s5 =	sld [smem:$0x3FB1]  }
0x2b: {  	s6 =	sld [smem:$0x3FB2]  }
0x2c: {  	s7 =	sld [smem:$0x3FB3]  }
0x2d: {  	s3 =	simm.s32 $0x108;
	s8 =	sld [smem:$0x3FB4]  }
0x2e: {  	s3 =	simm.s32 @!p0 $0x1082;
	s9 =	sld [smem:$0x3FB5]  }
0x2f: {  	lr =	sadd.s32 s0, s3;
	s0 =	sld [smem:$0x3FAC]  }
0x30: {  	s3 =	sld [smem:$0x3FAF]  }
0x31: {  	[smem:$0x3FB8] =	sst s10  }
0x32: {  	s10 =	sld [smem:$0x3FB6];
	_ =	sdelay $0x3  }
0x33: {  	p0 =	seq.s32 s10, $0x1;
	s10 =	sld [smem:$0x3FB8];
	_ =	sdelay $0x3  }
0x34: {  	[smem:$0x3FB8] =	sst s10  }
0x35: {  	s10 =	sld [smem:$0x3FB7];
	_ =	sdelay $0x3  }
0x36: {  	p1 =	seq.s32 s10, $0x1;
	s10 =	sld [smem:$0x3FB8];
	_ =	sdelay $0x3  }
0x37: {  	[smem:$0x3FB8] =	sst s10  }
0x38: {  	s10 =	sld [smem:$0x3FB9]  }
0x39: {  	_ = 	snop;
	(pc) =	sbr.ind lr, $3  }
0x3a: {  	_ = 	snop  }
0x3b: {  	_ = 	snop  }
0x3c: {  	p2 =	seq.s32 s10, $0x1;
	s10 =	sld [smem:$0x3FB8]  }
0x3d: {  	_ =	shalt  }
0x3e: {  	_ =	shalt  }
0x3f: {  	_ =	shalt  }
0x40: {  	_ =	shalt  }
0x41: {  	_ =	shalt  }
0x42: {  	_ =	shalt  }
0x43: {  	_ =	shalt  }
0x44: {  	_ =	shalt  }
0x45: {  	_ =	shalt  }
0x46: {  	_ =	shalt  }
0x47: {  	_ =	shalt  }
0x48: {  	_ =	shalt  }
0x49: {  	_ =	shalt  }
0x4a: {  	_ =	shalt  }
0x4b: {  	_ =	shalt  }
0x4c: {  	_ =	shalt  }
0x4d: {  	_ =	shalt  }
0x4e: {  	_ =	shalt  }
0x4f: {  	_ =	shalt  }
0x50: {  	_ =	shalt  }
0x51: {  	_ =	shalt  }
0x52: {  	_ =	shalt  }
0x53: {  	_ =	shalt  }
0x54: {  	_ =	shalt  }
0x55: {  	_ =	shalt  }
0x56: {  	_ =	shalt  }
0x57: {  	_ =	shalt  }
0x58: {  	_ =	shalt  }
0x59: {  	_ =	shalt  }
0x5a: {  	_ =	shalt  }
0x5b: {  	_ =	shalt  }
0x5c: {  	_ =	shalt  }
0x5d: {  	_ =	shalt  }
0x5e: {  	_ =	shalt  }
0x5f: {  	_ =	shalt  }
0x60: {  	_ =	shalt  }
0x61: {  	_ =	shalt  }
0x62: {  	_ =	shalt  }
0x63: {  	_ =	shalt  }
0x64: {  	_ =	shalt  }
0x65: {  	_ =	shalt  }
0x66: {  	_ =	shalt  }
0x67: {  	_ =	shalt  }
0x68: {  	_ =	shalt  }
0x69: {  	_ =	shalt  }
0x6a: {  	_ =	shalt  }
0x6b: {  	_ =	shalt  }
0x6c: {  	_ =	shalt  }
0x6d: {  	_ =	shalt  }
0x6e: {  	_ =	shalt  }
0x6f: {  	_ =	shalt  }
0x70: {  	_ =	shalt  }
0x71: {  	_ =	shalt  }
0x72: {  	_ =	shalt  }
0x73: {  	_ =	shalt  }
0x74: {  	_ =	shalt  }
0x75: {  	_ =	shalt  }
0x76: {  	_ =	shalt  }
0x77: {  	_ =	shalt  }
0x78: {  	_ =	shalt  }
0x79: {  	_ =	shalt  }
0x7a: {  	_ =	shalt  }
0x7b: {  	_ =	shalt  }
0x7c: {  	_ =	shalt  }
0x7d: {  	_ =	shalt  }
0x7e: {  	_ =	shalt  }
0x7f: {  	_ =	shalt  }
0x80: {  	_ =	shalt  }
0x81: {  	_ =	shalt  }
0x82: {  	_ =	shalt  }
0x83: {  	_ =	shalt  }
0x84: {  	_ =	shalt  }
0x85: {  	_ =	shalt  }
0x86: {  	_ =	shalt  }
0x87: {  	_ =	shalt  }
.Lfunc_end0:
.L_simem_size_0:
called_computation.1_lowered:
.L_overlay_start_0:
0x88: {  	s2 =	sld [smem:$0x3FD9]  }
0x89: {  	s3 =	sld [smem:$0x3FFE];
	_ =	sdelay $0x1  }
0x8a: {  	s1 =	srdreg.scid  }
0x8b: {  	s0 =	sand.u32 $0x1, s1  }
0x8c: {  	s16 =	sshll.u32 s0, $0xA;
	s2 =	sadd.s32 s3, s2  }
0x8d: {  	s2 =	sadd.s32 s2, s16  }
0x8e: {  	[smem:$0x3FC4] =	sst s2  }
0x8f: {  	_ = 	snop  }
0x90: {  	(tm) =	ssettm $0x1  }
0x91: {  	s17 =	sld [smem:$0x3FFB];
	_ =	sdelay $0x3  }
0x92: {  	_ =	strace s17  }
0x93: {  	s2 =	sld [smem:$0x3FFC];
	_ =	sdelay $0x3  }
0x94: {  	_ =	strace s2  }
0x95: {  	s2 =	sld [smem:$0x3FFD];
	_ =	sdelay $0x3  }
0x96: {  	_ =	strace s2  }
0x97: {  	_ =	strace $0x8FFFFFFF  }
0x98: {  	s18 =	sld [smem:$0x3FDB];
	_ =	sdelay $0x1  }
0x99: {  	s19 =	simm.s32 $_scs_section_size  }
0x9a: {  	s4 =	simm.s32 $_size__tile_overlayer_lowered;
	s5 =	simm.s32 $_tile_overlayer_lowered  }
0x9b: {  	s22 =	simm.s32 $0x1BFF;
	s21 =	sshll.u32 s5, $0x1;
	s2 =	sadd.s32 s19, s18  }
0x9c: {  	s6 =	simm.s32 $0x0;
	s20 =	sshll.u32 s4, $0x1;
	s4 =	sadd.s32 s21, s2  }
0x9d: {  	[timem:s6], [sflag:s22] =	dma.local [hbm:s4], s20  }
0x9e: {  	_ =	swait.ge [sflag:s22], s20  }
0x9f: {  	s3 =	ssub.s32 $0x0, s20;
	[sflag:s22] =	ssyncset.done $0x0  }
0xa0: {  	[sflag:s22] =	ssyncadd.s32 s3;
	_ =	sdelay $0x1  }
0xa1: {  	s23 =	simm.s32 $0x1B8B  }
0xa2: {  	_ =	swait.ge [sflag:s23], $0x1  }
0xa3: {  	[sflag:s23] =	ssyncset.done $0x0  }
0xa4: {  	s25 =	simm.s32 $0x1B8E;
	s24 =	sld [smem:$0x3FFE];
	[sflag:s23] =	ssyncadd.s32 $0xFFFFFFFF  }
0xa5: {  	s26 =	simm.s32 $execute0_lowered;
	[smem:$0x3FD2] =	sst s25  }
0xa6: {  	s4 =	sshll.u32 s26, $0x1;
	_ =	strace $0x80000049;
	[dreg:$0x1] =	wrdreg $0xFFFFFFFF  }
0xa7: {  	s28 =	simm.s32 $_size_execute0_lowered;
	s2 =	sadd.s32 s2, s4;
	[dreg:$0x0] =	wrdreg $0x0  }
0xa8: {  	s4 =	sshll.u32 s28, $0x1;
	[dreg:$0x2] =	wrdreg s2  }
0xa9: {  	[dreg:$0x3] =	wrdreg s4  }
0xaa: {  	[dreg:$0x4] =	wrdreg $0xC0  }
0xab: {  	_ =	task [dreg:s6], $0x5FFFF  }
0xac: {  	[dreg:$0x1] =	wrdreg $0xFFFFFFFF  }
0xad: {  	[dreg:$0x0] =	wrdreg $0x60  }
0xae: {  	[dreg:$0x2] =	wrdreg s24  }
0xaf: {  	[dreg:$0x3] =	wrdreg $0x9  }
0xb0: {  	_ =	task.clear_ibuf [dreg:s6], $0x4FFFF;
	_ =	strace $0x90000049  }
0xb1: {  	s29 =	simm.s32 $0x9;
	_ =	strace $0x8000004B  }
0xb2: {  	_ =	swait.ge [sflag:s29], $0x1  }
0xb3: {  	[sflag:s29] =	ssyncadd.s32 $0xFFFFFFFF  }
0xb4: {  	_ =	strace $0x9000004B  }
0xb5: {  	_ =	sfence  }
0xb6: {  	s30 =	sld [smem:$0x0];
	_ =	sdelay $0x2  }
0xb7: {  	s31 =	sshll.u32 s1, $0xD;
	s1 =	sshrl.u32 s1, $0x2  }
0xb8: {  	s3 =	sand.u32 $0x4000, s31;
	s1 =	sadd.s32 s1, s30  }
0xb9: {  	s0 =	sor.u32 s3, s0;
	s1 =	sshll.u32 s1, $0x11  }
0xba: {  	s0 =	sor.u32 s1, s0  }
0xbb: {  	s0 =	sadd.s32 $0x8F2B, s0  }
0xbc: {  	[sflag:s0] =	ssyncadd.remote.s32 $0x1  }
0xbd: {  	_ =	sfence.sel $0xFFFF  }
0xbe: {  	[dreg:$0x0] =	wrdreg $0xFFFFFFFF;
	(pc) =	sbr.abs _section_cstart, $3  }
0xbf: {  	[dreg:$0x1] =	wrdreg $0xFFFFFFFF  }
0xc0: {  	_ =	task.clear_ibuf [dreg:s6], $0x2FFFF;
	_ =	strace $0x9FFFFFFF  }
0xc1: {  	(tm) =	ssettm $0x7FFFFFFF  }
tec
execute0_lowered:
.L_overlay_start_1:
0x0: {  	(tag) =	ssettag $0x1  }
0x1: {  	s0 =	rddreg [dreg:$0x0]  }
0x2: {  	s1 =	simm.s32 $0x0;
	s2 =	srdreg.scid;
	s4 =	stileid.u32  }
0x3: {  	s16 =	simm.s32 $0x80;
	s17 =	simm.s32 $0x200;
	s18 =	simm.s32 $0x5  }
0x4: {  	s19 =	simm.s32 $0x2780;
	s20 =	simm.s32 $0x4F00;
	s21 =	simm.s32 $0x7680  }
0x5: {  	s28 =	simm.s32 $0x2;
	s29 =	simm.s32 $0x9E00;
	s30 =	simm.s32 $0xC580  }
0x6: {  	s31 =	simm.s32 $0xED00;
	[smem:$0x7FF] =	sst s1;
	s2 =	sand.u32 $0x1, s2  }
0x7: {  	s5 =	sadd.s32 $0x14E00, s0;
	s8 =	sadd.s32 $0x3C600, s0;
	s26 =	sadd.s32 $0x13F4, s0  }
0x8: {  	_ =	strace $0x8000004A;
	s3 =	sshll.u32 s2, $0x4;
	s2 =	ssub.s32 $0x2, s2  }
0x9: {  	[dreg:$0x6] =	wrdreg s26;
	s26 =	simm.s32 $0x1;
	s4 =	sor.u32 s4, s3  }
0xa: {  	s3 =	sadd.s32 $0x1200, s0;
	s6 =	sshrl.u32 s2, $0x1;
	s7 =	smul.u32 $0x13C0, s4  }
0xb: {  	s4 =	sadd.s32 $0xB000, s0;
	s2 =	ssub.s32 s2, s6;
	s0 =	sadd.s32 $0xB1F4, s0  }
0xc: {  	[dreg:$0x7] =	wrdreg s0;
	s15 =	smax.u32 s2, $0x1;
	s0 =	simm.s32 $0x11480  }
0xd: {  	s2 =	simm.s32 $0x3;
	s22 =	sadd.s32 s5, s7;
	s23 =	sor.u32 $0x10, s7  }
0xe: {  	s9 =	sor.u32 $0x20, s7;
	s25 =	sor.u32 $0x30, s7;
	s11 =	sadd.s32 s8, s7  }
.Ltmp0:
0xf: {  	[dreg:$0x2] =	wrdreg s22;
	s10 =	sadd.s32 s5, s23;
	(pc) =	sbr.rel .LBB2_1-.Ltmp0, $4  }
0x10: {  	s24 =	sadd.s32 s5, s9;
	s5 =	sadd.s32 s5, s25;
	s12 =	sadd.s32 s8, s23  }
0x11: {  	s13 =	sadd.s32 s8, s9;
	s14 =	sadd.s32 s8, s25;
	[dreg:$0x3] =	wrdreg s10  }
0x12: {  	s25 =	simm.s32 $0x16C00;
	s22 =	simm.s32 $0x4;
	[dreg:$0x4] =	wrdreg s24  }
0x13: {  	v0 =	vimm.f32 $0.0e+00;
	s23 =	simm.s32 $0x0;
	[dreg:$0x5] =	wrdreg s5;
	s24 =	simm.s32 $0x14C00  }
.LBB2_12:
0x14: {  	[hbm4b:s11+s16] =	stream.strided.scatter [tilespmem:s29], [sflag:$0x5], $0x2780, s17, s16, $0x38;
	[tilespmem:$0x17C00] =	vst v63  }
0x15: {  	_ =	swait.ge [sflag:s18], $0x2780  }
0x16: {  	[sflag:s18] =	ssyncset.done $0x0  }
0x17: {  	[sflag:s18] =	ssyncadd.s32 $0xFFFFD880  }
0x18: {  	[hbm4b:s12+s16] =	stream.strided.scatter [tilespmem:s30], [sflag:$0x5], $0x2780, s17, s16, $0x38;
	[tilespmem:$0x17C00] =	vst v63  }
0x19: {  	_ =	swait.ge [sflag:s18], $0x2780  }
0x1a: {  	[sflag:s18] =	ssyncset.done $0x0  }
0x1b: {  	[sflag:s18] =	ssyncadd.s32 $0xFFFFD880  }
0x1c: {  	[hbm4b:s13+s16] =	stream.strided.scatter [tilespmem:s31], [sflag:$0x5], $0x2780, s17, s16, $0x38;
	[tilespmem:$0x17C00] =	vst v63  }
0x1d: {  	s23 =	sadd.s32 $0x1, s23;
	_ =	swait.ge [sflag:s18], $0x2780  }
0x1e: {  	p0 =	sne.s32 s23, s15;
	[sflag:s18] =	ssyncset.done $0x0  }
.Ltmp1:
0x1f: {  	[sflag:s18] =	ssyncadd.s32 $0xFFFFD880;
	(pc) =	sbr.rel @!p0 .LBB2_13-.Ltmp1, $4  }
0x20: {  	[hbm4b:s14+s16] =	stream.strided.scatter [tilespmem:s0], [sflag:$0x5], $0x2780, s17, s16, $0x38;
	[tilespmem:$0x17C00] =	vst v63  }
0x21: {  	_ =	swait.ge [sflag:s18], $0x2780  }
0x22: {  	[sflag:s18] =	ssyncset.done $0x0  }
0x23: {  	[sflag:s18] =	ssyncadd.s32 $0xFFFFD880  }
.LBB2_1:
0x24: {  	s5 =	rddreg [dreg:$0x2]  }
0x25: {  	[tilespmem:s1], [sflag:$0x5] =	stream.strided.gather [hbm4b:s5+s16], $0x2780, s17, s16, $0x38;
	[tilespmem:$0x17C00] =	vst v63  }
0x26: {  	_ =	swait.ge [sflag:s18], $0x2780  }
0x27: {  	[sflag:s18] =	ssyncset.done $0x0  }
0x28: {  	s8 =	rddreg [dreg:$0x3];
	[sflag:s18] =	ssyncadd.s32 $0xFFFFD880  }
0x29: {  	[tilespmem:s19], [sflag:$0x5] =	stream.strided.gather [hbm4b:s8+s16], $0x2780, s17, s16, $0x38;
	[tilespmem:$0x17C00] =	vst v63  }
0x2a: {  	_ =	swait.ge [sflag:s18], $0x2780  }
0x2b: {  	[sflag:s18] =	ssyncset.done $0x0  }
0x2c: {  	s9 =	rddreg [dreg:$0x4];
	[sflag:s18] =	ssyncadd.s32 $0xFFFFD880  }
0x2d: {  	[tilespmem:s20], [sflag:$0x5] =	stream.strided.gather [hbm4b:s9+s16], $0x2780, s17, s16, $0x38;
	[tilespmem:$0x17C00] =	vst v63  }
0x2e: {  	_ =	swait.ge [sflag:s18], $0x2780  }
0x2f: {  	[sflag:s18] =	ssyncset.done $0x0  }
0x30: {  	s10 =	rddreg [dreg:$0x5];
	[sflag:s18] =	ssyncadd.s32 $0xFFFFD880  }
0x31: {  	[tilespmem:s21], [sflag:$0x5] =	stream.strided.gather [hbm4b:s10+s16], $0x2780, s17, s16, $0x38;
	[tilespmem:$0x17C00] =	vst v63  }
0x32: {  	_ =	swait.ge [sflag:s18], $0x2780  }
0x33: {  	[sflag:s18] =	ssyncset.done $0x0  }
0x34: {  	s8 =	simm.s32 $0x9E20;
	[sflag:s18] =	ssyncadd.s32 $0xFFFFD880  }
0x35: {  	[tilespmem:s8+$0xFFFFFFF0] =	vst v0  }
0x36: {  	[tilespmem:s8+$0x0] =	vst v0  }
0x37: {  	[tilespmem:s8+$0x10] =	vst v0  }
0x38: {  	s5 =	simm.s32 $0xC5A0;
	[tilespmem:s8+$0xFFFFFFE0] =	vst v0  }
0x39: {  	[tilespmem:s5+$0xFFFFFFF0] =	vst v0  }
0x3a: {  	[tilespmem:s5+$0x0] =	vst v0  }
0x3b: {  	[tilespmem:s5+$0x10] =	vst v0  }
0x3c: {  	s6 =	simm.s32 $0xED20;
	[tilespmem:s5+$0xFFFFFFE0] =	vst v0  }
0x3d: {  	[tilespmem:s6+$0xFFFFFFF0] =	vst v0  }
0x3e: {  	[tilespmem:s6+$0x0] =	vst v0  }
0x3f: {  	[tilespmem:s6+$0x10] =	vst v0  }
0x40: {  	s7 =	simm.s32 $0x114A0;
	[tilespmem:s6+$0xFFFFFFE0] =	vst v0  }
0x41: {  	[tilespmem:s7+$0xFFFFFFF0] =	vst v0  }
0x42: {  	[tilespmem:s7+$0x0] =	vst v0  }
0x43: {  	[tilespmem:s7+$0x10] =	vst v0  }
0x44: {  	s9 =	simm.s32 $0x9E60;
	s8 =	simm.s32 $0x0;
	[tilespmem:s7+$0xFFFFFFE0] =	vst v0  }
.LBB2_2:
0x45: {  	[tilespmem:s9+$0xFFFFFFF0] =	vst v0;
	s5 =	sadd.s32 $0x40, s5  }
0x46: {  	s6 =	sadd.s32 $0x40, s6;
	[tilespmem:s5+$0xFFFFFFF0] =	vst v0  }
0x47: {  	s7 =	sadd.s32 $0x40, s7;
	[tilespmem:s6+$0xFFFFFFF0] =	vst v0  }
0x48: {  	[tilespmem:s7+$0xFFFFFFF0] =	vst v0  }
0x49: {  	[tilespmem:s9+$0x0] =	vst v0  }
0x4a: {  	[tilespmem:s5+$0x0] =	vst v0  }
0x4b: {  	[tilespmem:s6+$0x0] =	vst v0  }
0x4c: {  	[tilespmem:s7+$0x0] =	vst v0  }
0x4d: {  	[tilespmem:s9+$0x10] =	vst v0  }
0x4e: {  	s8 =	sadd.s32 $0x4, s8;
	[tilespmem:s5+$0x10] =	vst v0  }
0x4f: {  	p0 =	slt.u32 s8, $0x274;
	[tilespmem:s6+$0x10] =	vst v0  }
.Ltmp2:
0x50: {  	[tilespmem:s7+$0x10] =	vst v0;
	(pc) =	sbr.rel @p0 .LBB2_2-.Ltmp2, $4  }
0x51: {  	[tilespmem:s9+$0xFFFFFFE0] =	vst v0  }
0x52: {  	[tilespmem:s5+$0xFFFFFFE0] =	vst v0  }
0x53: {  	[tilespmem:s6+$0xFFFFFFE0] =	vst v0  }
0x54: {  	s9 =	sadd.s32 $0x40, s9;
	[tilespmem:s7+$0xFFFFFFE0] =	vst v0  }
0x55: {  	s5 =	simm.s32 $0x0;
	s6 =	simm.s32 $0x13C00  }
0x56: {  	[tilespmem:s6], [sflag:$0x1] =	stream.linear.gather [hbm4b:s3+s5], $0xFA0, $0x38;
	[tilespmem:$0x17C00] =	vst v63  }
0x57: {  	s8 =	simm.s32 $0x15C00  }
0x58: {  	[tilespmem:s8], [sflag:$0x2] =	stream.linear.gather [hbm4b:s4+s5], $0xFA0, $0x38;
	[tilespmem:$0x17C00] =	vst v63  }
0x59: {  	s9 =	rddreg [dreg:$0x6]  }
0x5a: {  	[tilespmem:s24], [sflag:$0x3] =	stream.linear.gather [hbm4b:s9+s5], $0xFA0, $0x38;
	[tilespmem:$0x17C00] =	vst v63  }
0x5b: {  	s10 =	rddreg [dreg:$0x7];
	s6 =	simm.s32 $0x0  }
0x5c: {  	[tilespmem:s25], [sflag:$0x4] =	stream.linear.gather [hbm4b:s10+s5], $0xFA0, $0x38;
	[tilespmem:$0x17C00] =	vst v63  }
.LBB2_4:
0x5d: {  	_ =	swait.ge [sflag:s26], $0xFA0  }
0x5e: {  	[sflag:s26] =	ssyncset.done $0x0  }
0x5f: {  	[sflag:s26] =	ssyncadd.s32 $0xFFFFF060  }
0x60: {  	_ =	swait.ge [sflag:s28], $0xFA0  }
0x61: {  	[sflag:s28] =	ssyncset.done $0x0  }
0x62: {  	s8 =	simm.s32 $0x13C40;
	[sflag:s28] =	ssyncadd.s32 $0xFFFFF060  }
0x63: {  	v1 =	vld [tilespmem:s8+$0x30]  }
0x64: {  	v2 =	vld [tilespmem:s8+$0xFFFFFFD0]  }
0x65: {  	v3 =	vld [tilespmem:s8+$0xFFFFFFE0]  }
0x66: {  	v4 =	vld [tilespmem:s8+$0xFFFFFFF0]  }
0x67: {  	v5 =	vld [tilespmem:s8+$0x0]  }
0x68: {  	s7 =	simm.s32 $0x15C40;
	v6 =	vld [tilespmem:s8+$0x10]  }
0x69: {  	v7 =	vld [tilespmem:s7+$0x30]  }
0x6a: {  	v8 =	vld [tilespmem:s8+$0x20]  }
0x6b: {  	v10 =	vld [tilespmem:s8+$0xFFFFFFC0]  }
0x6c: {  	v18 =	vld [tilespmem:s7+$0xFFFFFFC0]  }
0x6d: {  	v19 =	vld [tilespmem:s7+$0xFFFFFFD0]  }
0x6e: {  	v20 =	vld [tilespmem:s7+$0xFFFFFFE0]  }
0x6f: {  	v21 =	vld [tilespmem:s7+$0xFFFFFFF0]  }
0x70: {  	v22 =	vld [tilespmem:s7+$0x0]  }
0x71: {  	v23 =	vld [tilespmem:s7+$0x10]  }
0x72: {  	v24 =	vld [tilespmem:s7+$0x20]  }
0x73: {  	v9 =	vld.idx.msk [tilespmem:v1+s5+$0x0], $0xffff  }
0x74: {  	v11 =	vld.idx.msk [tilespmem:v2+s5+$0x0], $0xffff  }
0x75: {  	v12 =	vld.idx.msk [tilespmem:v3+s5+$0x0], $0xffff  }
0x76: {  	v13 =	vld.idx.msk [tilespmem:v4+s5+$0x0], $0xffff  }
0x77: {  	v16 =	vld.idx.msk [tilespmem:v10+s5+$0x0], $0xffff  }
0x78: {  	v14 =	vld.idx.msk [tilespmem:v5+s5+$0x0], $0xffff  }
0x79: {  	v15 =	vld.idx.msk [tilespmem:v6+s5+$0x0], $0xffff  }
0x7a: {  	v17 =	vld.idx.msk [tilespmem:v8+s5+$0x0], $0xffff  }
0x7b: {  	[tilespmem:v7+s29+$0x0] =	vst.idx.add.f32.msk $0xffff, v9  }
0x7c: {  	[tilespmem:v18+s29+$0x0] =	vst.idx.add.f32.msk $0xffff, v16  }
0x7d: {  	[tilespmem:v19+s29+$0x0] =	vst.idx.add.f32.msk $0xffff, v11  }
0x7e: {  	[tilespmem:v20+s29+$0x0] =	vst.idx.add.f32.msk $0xffff, v12  }
0x7f: {  	[tilespmem:v21+s29+$0x0] =	vst.idx.add.f32.msk $0xffff, v13  }
0x80: {  	[tilespmem:v22+s29+$0x0] =	vst.idx.add.f32.msk $0xffff, v14  }
0x81: {  	[tilespmem:v23+s29+$0x0] =	vst.idx.add.f32.msk $0xffff, v15  }
0x82: {  	[tilespmem:v24+s29+$0x0] =	vst.idx.add.f32.msk $0xffff, v17  }
0x83: {  	v9 =	vld.idx.msk [tilespmem:v1+s19+$0x0], $0xffff  }
0x84: {  	v57 =	vld.idx.msk [tilespmem:v2+s19+$0x0], $0xffff  }
0x85: {  	v58 =	vld.idx.msk [tilespmem:v3+s19+$0x0], $0xffff  }
0x86: {  	v59 =	vld.idx.msk [tilespmem:v4+s19+$0x0], $0xffff  }
0x87: {  	v60 =	vld.idx.msk [tilespmem:v5+s19+$0x0], $0xffff  }
0x88: {  	v61 =	vld.idx.msk [tilespmem:v6+s19+$0x0], $0xffff  }
0x89: {  	v62 =	vld.idx.msk [tilespmem:v8+s19+$0x0], $0xffff  }
0x8a: {  	[tilespmem:v7+s30+$0x0] =	vst.idx.add.f32.msk $0xffff, v9  }
0x8b: {  	[tilespmem:v19+s30+$0x0] =	vst.idx.add.f32.msk $0xffff, v57  }
0x8c: {  	[tilespmem:v20+s30+$0x0] =	vst.idx.add.f32.msk $0xffff, v58  }
0x8d: {  	[tilespmem:v21+s30+$0x0] =	vst.idx.add.f32.msk $0xffff, v59  }
0x8e: {  	[tilespmem:v22+s30+$0x0] =	vst.idx.add.f32.msk $0xffff, v60  }
0x8f: {  	[tilespmem:v23+s30+$0x0] =	vst.idx.add.f32.msk $0xffff, v61  }
0x90: {  	[tilespmem:v24+s30+$0x0] =	vst.idx.add.f32.msk $0xffff, v62  }
0x91: {  	v9 =	vld.idx.msk [tilespmem:v1+s20+$0x0], $0xffff  }
0x92: {  	v11 =	vld.idx.msk [tilespmem:v4+s20+$0x0], $0xffff  }
0x93: {  	v12 =	vld.idx.msk [tilespmem:v5+s20+$0x0], $0xffff  }
0x94: {  	v13 =	vld.idx.msk [tilespmem:v6+s20+$0x0], $0xffff  }
0x95: {  	v14 =	vld.idx.msk [tilespmem:v8+s20+$0x0], $0xffff  }
0x96: {  	[tilespmem:v7+s31+$0x0] =	vst.idx.add.f32.msk $0xffff, v9  }
0x97: {  	v9 =	vld.idx.msk [tilespmem:v3+s20+$0x0], $0xffff  }
0x98: {  	[tilespmem:v21+s31+$0x0] =	vst.idx.add.f32.msk $0xffff, v11  }
0x99: {  	[tilespmem:v22+s31+$0x0] =	vst.idx.add.f32.msk $0xffff, v12  }
0x9a: {  	[tilespmem:v23+s31+$0x0] =	vst.idx.add.f32.msk $0xffff, v13  }
0x9b: {  	v1 =	vld.idx.msk [tilespmem:v1+s21+$0x0], $0xffff  }
0x9c: {  	[tilespmem:v24+s31+$0x0] =	vst.idx.add.f32.msk $0xffff, v14  }
0x9d: {  	v4 =	vld.idx.msk [tilespmem:v4+s21+$0x0], $0xffff  }
0x9e: {  	v5 =	vld.idx.msk [tilespmem:v5+s21+$0x0], $0xffff  }
0x9f: {  	v6 =	vld.idx.msk [tilespmem:v6+s21+$0x0], $0xffff  }
0xa0: {  	[tilespmem:v7+s0+$0x0] =	vst.idx.add.f32.msk $0xffff, v1  }
0xa1: {  	v1 =	vld.idx.msk [tilespmem:v10+s19+$0x0], $0xffff  }
0xa2: {  	v63 =	vld.idx.msk [tilespmem:v8+s21+$0x0], $0xffff  }
0xa3: {  	[tilespmem:v20+s31+$0x0] =	vst.idx.add.f32.msk $0xffff, v9  }
0xa4: {  	v7 =	vld.idx.msk [tilespmem:v2+s20+$0x0], $0xffff  }
0xa5: {  	v3 =	vld.idx.msk [tilespmem:v3+s21+$0x0], $0xffff  }
0xa6: {  	[tilespmem:v18+s30+$0x0] =	vst.idx.add.f32.msk $0xffff, v1  }
0xa7: {  	v1 =	vld.idx.msk [tilespmem:v10+s20+$0x0], $0xffff  }
0xa8: {  	[tilespmem:v21+s0+$0x0] =	vst.idx.add.f32.msk $0xffff, v4  }
0xa9: {  	[tilespmem:v22+s0+$0x0] =	vst.idx.add.f32.msk $0xffff, v5  }
0xaa: {  	[tilespmem:v19+s31+$0x0] =	vst.idx.add.f32.msk $0xffff, v7  }
0xab: {  	v2 =	vld.idx.msk [tilespmem:v2+s21+$0x0], $0xffff  }
0xac: {  	[tilespmem:v18+s31+$0x0] =	vst.idx.add.f32.msk $0xffff, v1  }
0xad: {  	v1 =	vld.idx.msk [tilespmem:v10+s21+$0x0], $0xffff  }
0xae: {  	[tilespmem:v23+s0+$0x0] =	vst.idx.add.f32.msk $0xffff, v6  }
0xaf: {  	[tilespmem:v24+s0+$0x0] =	vst.idx.add.f32.msk $0xffff, v63  }
0xb0: {  	[tilespmem:v20+s0+$0x0] =	vst.idx.add.f32.msk $0xffff, v3  }
0xb1: {  	[tilespmem:v19+s0+$0x0] =	vst.idx.add.f32.msk $0xffff, v2  }
0xb2: {  	s9 =	simm.s32 $0x13CC0;
	s8 =	simm.s32 $0x0;
	[tilespmem:v18+s0+$0x0] =	vst.idx.add.f32.msk $0xffff, v1  }
.LBB2_5:
0xb3: {  	v7 =	vld [tilespmem:s9+$0x30];
	s8 =	sadd.s32 $0x8, s8  }
0xb4: {  	v1 =	vld [tilespmem:s9+$0xFFFFFFD0];
	p0 =	slt.u32 s8, $0xF0  }
0xb5: {  	v2 =	vld [tilespmem:s9+$0xFFFFFFE0]  }
0xb6: {  	v3 =	vld [tilespmem:s9+$0xFFFFFFF0]  }
0xb7: {  	v4 =	vld [tilespmem:s9+$0x0]  }
0xb8: {  	s7 =	sadd.s32 $0x80, s7;
	v5 =	vld [tilespmem:s9+$0x10]  }
0xb9: {  	v8 =	vld [tilespmem:s7+$0x30]  }
0xba: {  	s10 =	simm.s32 $0x0;
	v6 =	vld [tilespmem:s9+$0x20]  }
0xbb: {  	v9 =	vld.idx.msk [tilespmem:v7+s10+$0x0], $0xffff  }
0xbc: {  	v10 =	vld [tilespmem:s9+$0xFFFFFFC0]  }
0xbd: {  	v11 =	vld.idx.msk [tilespmem:v1+s10+$0x0], $0xffff  }
0xbe: {  	v12 =	vld.idx.msk [tilespmem:v2+s10+$0x0], $0xffff  }
0xbf: {  	v13 =	vld.idx.msk [tilespmem:v3+s10+$0x0], $0xffff  }
0xc0: {  	v14 =	vld.idx.msk [tilespmem:v4+s10+$0x0], $0xffff  }
0xc1: {  	[tilespmem:v8+s29+$0x0] =	vst.idx.add.f32.msk $0xffff, v9  }
0xc2: {  	v9 =	vld.idx.msk [tilespmem:v7+s19+$0x0], $0xffff  }
0xc3: {  	v15 =	vld.idx.msk [tilespmem:v5+s10+$0x0], $0xffff  }
0xc4: {  	v16 =	vld.idx.msk [tilespmem:v10+s10+$0x0], $0xffff  }
0xc5: {  	v17 =	vld.idx.msk [tilespmem:v6+s10+$0x0], $0xffff  }
0xc6: {  	v18 =	vld [tilespmem:s7+$0xFFFFFFC0]  }
0xc7: {  	v19 =	vld [tilespmem:s7+$0xFFFFFFD0]  }
0xc8: {  	[tilespmem:v8+s30+$0x0] =	vst.idx.add.f32.msk $0xffff, v9  }
0xc9: {  	v9 =	vld.idx.msk [tilespmem:v7+s20+$0x0], $0xffff  }
0xca: {  	v20 =	vld [tilespmem:s7+$0xFFFFFFE0]  }
0xcb: {  	v21 =	vld [tilespmem:s7+$0xFFFFFFF0]  }
0xcc: {  	v22 =	vld [tilespmem:s7+$0x0]  }
0xcd: {  	v23 =	vld [tilespmem:s7+$0x10]  }
0xce: {  	v24 =	vld [tilespmem:s7+$0x20]  }
0xcf: {  	[tilespmem:v8+s31+$0x0] =	vst.idx.add.f32.msk $0xffff, v9  }
0xd0: {  	v7 =	vld.idx.msk [tilespmem:v7+s21+$0x0], $0xffff  }
0xd1: {  	[tilespmem:v18+s29+$0x0] =	vst.idx.add.f32.msk $0xffff, v16  }
0xd2: {  	[tilespmem:v19+s29+$0x0] =	vst.idx.add.f32.msk $0xffff, v11  }
0xd3: {  	[tilespmem:v20+s29+$0x0] =	vst.idx.add.f32.msk $0xffff, v12  }
0xd4: {  	[tilespmem:v21+s29+$0x0] =	vst.idx.add.f32.msk $0xffff, v13  }
0xd5: {  	[tilespmem:v22+s29+$0x0] =	vst.idx.add.f32.msk $0xffff, v14  }
0xd6: {  	[tilespmem:v8+s0+$0x0] =	vst.idx.add.f32.msk $0xffff, v7  }
0xd7: {  	[tilespmem:v23+s29+$0x0] =	vst.idx.add.f32.msk $0xffff, v15  }
0xd8: {  	[tilespmem:v24+s29+$0x0] =	vst.idx.add.f32.msk $0xffff, v17  }
0xd9: {  	v7 =	vld.idx.msk [tilespmem:v10+s19+$0x0], $0xffff  }
0xda: {  	v8 =	vld.idx.msk [tilespmem:v1+s19+$0x0], $0xffff  }
0xdb: {  	v9 =	vld.idx.msk [tilespmem:v2+s19+$0x0], $0xffff  }
0xdc: {  	v11 =	vld.idx.msk [tilespmem:v3+s19+$0x0], $0xffff  }
0xdd: {  	v12 =	vld.idx.msk [tilespmem:v4+s19+$0x0], $0xffff  }
0xde: {  	v13 =	vld.idx.msk [tilespmem:v5+s19+$0x0], $0xffff  }
0xdf: {  	v14 =	vld.idx.msk [tilespmem:v6+s19+$0x0], $0xffff  }
0xe0: {  	[tilespmem:v18+s30+$0x0] =	vst.idx.add.f32.msk $0xffff, v7  }
0xe1: {  	[tilespmem:v19+s30+$0x0] =	vst.idx.add.f32.msk $0xffff, v8  }
0xe2: {  	[tilespmem:v20+s30+$0x0] =	vst.idx.add.f32.msk $0xffff, v9  }
0xe3: {  	[tilespmem:v21+s30+$0x0] =	vst.idx.add.f32.msk $0xffff, v11  }
0xe4: {  	[tilespmem:v22+s30+$0x0] =	vst.idx.add.f32.msk $0xffff, v12  }
0xe5: {  	[tilespmem:v23+s30+$0x0] =	vst.idx.add.f32.msk $0xffff, v13  }
0xe6: {  	[tilespmem:v24+s30+$0x0] =	vst.idx.add.f32.msk $0xffff, v14  }
0xe7: {  	v7 =	vld.idx.msk [tilespmem:v10+s20+$0x0], $0xffff  }
0xe8: {  	v8 =	vld.idx.msk [tilespmem:v1+s20+$0x0], $0xffff  }
0xe9: {  	v9 =	vld.idx.msk [tilespmem:v2+s20+$0x0], $0xffff  }
0xea: {  	v11 =	vld.idx.msk [tilespmem:v3+s20+$0x0], $0xffff  }
0xeb: {  	v12 =	vld.idx.msk [tilespmem:v4+s20+$0x0], $0xffff  }
0xec: {  	v13 =	vld.idx.msk [tilespmem:v5+s20+$0x0], $0xffff  }
0xed: {  	v14 =	vld.idx.msk [tilespmem:v6+s20+$0x0], $0xffff  }
0xee: {  	[tilespmem:v18+s31+$0x0] =	vst.idx.add.f32.msk $0xffff, v7  }
0xef: {  	[tilespmem:v19+s31+$0x0] =	vst.idx.add.f32.msk $0xffff, v8  }
0xf0: {  	[tilespmem:v20+s31+$0x0] =	vst.idx.add.f32.msk $0xffff, v9  }
0xf1: {  	[tilespmem:v21+s31+$0x0] =	vst.idx.add.f32.msk $0xffff, v11  }
0xf2: {  	[tilespmem:v22+s31+$0x0] =	vst.idx.add.f32.msk $0xffff, v12  }
0xf3: {  	[tilespmem:v23+s31+$0x0] =	vst.idx.add.f32.msk $0xffff, v13  }
0xf4: {  	[tilespmem:v24+s31+$0x0] =	vst.idx.add.f32.msk $0xffff, v14  }
0xf5: {  	v7 =	vld.idx.msk [tilespmem:v10+s21+$0x0], $0xffff  }
0xf6: {  	v1 =	vld.idx.msk [tilespmem:v1+s21+$0x0], $0xffff  }
0xf7: {  	v2 =	vld.idx.msk [tilespmem:v2+s21+$0x0], $0xffff  }
0xf8: {  	v3 =	vld.idx.msk [tilespmem:v3+s21+$0x0], $0xffff  }
0xf9: {  	v4 =	vld.idx.msk [tilespmem:v4+s21+$0x0], $0xffff  }
0xfa: {  	v5 =	vld.idx.msk [tilespmem:v5+s21+$0x0], $0xffff  }
0xfb: {  	v6 =	vld.idx.msk [tilespmem:v6+s21+$0x0], $0xffff  }
0xfc: {  	[tilespmem:v18+s0+$0x0] =	vst.idx.add.f32.msk $0xffff, v7  }
0xfd: {  	[tilespmem:v19+s0+$0x0] =	vst.idx.add.f32.msk $0xffff, v1  }
.Ltmp3:
0xfe: {  	[tilespmem:v20+s0+$0x0] =	vst.idx.add.f32.msk $0xffff, v2;
	(pc) =	sbr.rel @p0 .LBB2_5-.Ltmp3, $4  }
0xff: {  	[tilespmem:v21+s0+$0x0] =	vst.idx.add.f32.msk $0xffff, v3  }
0x100: {  	[tilespmem:v22+s0+$0x0] =	vst.idx.add.f32.msk $0xffff, v4  }
0x101: {  	[tilespmem:v23+s0+$0x0] =	vst.idx.add.f32.msk $0xffff, v5  }
0x102: {  	s9 =	sadd.s32 $0x80, s9;
	[tilespmem:v24+s0+$0x0] =	vst.idx.add.f32.msk $0xffff, v6  }
.LBB2_6:
0x103: {  	s7 =	sshra.s32 s10, $0x2  }
0x104: {  	v1 =	vld [tilespmem:s7+$0x14B80];
	_ =	sdelay $0x4  }
0x105: {  	v2 =	vld [tilespmem:s7+$0x16B80];
	_ =	sdelay $0x2  }
0x106: {  	v3 =	vld.idx.msk [tilespmem:v1+s1+$0x0], $0xffff;
	_ =	sdelay $0x4  }
0x107: {  	[tilespmem:v2+s29+$0x0] =	vst.idx.add.f32.msk $0xffff, v3  }
0x108: {  	v3 =	vld.idx.msk [tilespmem:v1+s19+$0x0], $0xffff;
	_ =	sdelay $0x4  }
0x109: {  	[tilespmem:v2+s30+$0x0] =	vst.idx.add.f32.msk $0xffff, v3  }
0x10a: {  	v3 =	vld.idx.msk [tilespmem:v1+s20+$0x0], $0xffff;
	_ =	sdelay $0x4  }
0x10b: {  	[tilespmem:v2+s31+$0x0] =	vst.idx.add.f32.msk $0xffff, v3  }
0x10c: {  	p0 =	sne.s32 s10, $0x40;
	v1 =	vld.idx.msk [tilespmem:v1+s21+$0x0], $0xffff  }
.Ltmp4:
0x10d: {  	_ = 	snop;
	(pc) =	sbr.rel @p0 .LBB2_6-.Ltmp4, $2  }
0x10e: {  	_ =	sdelay $0x2  }
0x10f: {  	s10 =	sadd.s32 $0x40, s10;
	[tilespmem:v2+s0+$0x0] =	vst.idx.add.f32.msk $0xffff, v1  }
0x110: {  	p0 =	seq.s32 s6, $0x27  }
0x111: {  	s7 =	smul.u32 @!p0 $0x1F40, s6;
	_ =	sdelay $0x1  }
0x112: {  	s7 =	sshrl.u32 @!p0 s7, $0x3  }
0x113: {  	s7 =	sadd.s32 @!p0 $0x3E8, s7  }
0x114: {  	s9 =	simm.s32 @!p0 $0x0;
	s10 =	simm.s32 @!p0 $0x13C00;
	s8 =	sadd.s32 @!p0 s3, s7  }
0x115: {  	[tilespmem:s10], [sflag:$0x1] =	stream.linear.gather @!p0 [hbm4b:s8+s9], $0xFA0, $0x38;
	[tilespmem:$0x17C00] =	vst v63  }
0x116: {  	s7 =	sadd.s32 @!p0 s4, s7;
	s8 =	simm.s32 @!p0 $0x15C00  }
0x117: {  	[tilespmem:s8], [sflag:$0x2] =	stream.linear.gather @!p0 [hbm4b:s7+s9], $0xFA0, $0x38;
	[tilespmem:$0x17C00] =	vst v63  }
0x118: {  	_ =	swait.ge [sflag:s2], $0xFA0  }
0x119: {  	[sflag:s2] =	ssyncset.done $0x0  }
0x11a: {  	[sflag:s2] =	ssyncadd.s32 $0xFFFFF060  }
0x11b: {  	_ =	swait.ge [sflag:s22], $0xFA0  }
0x11c: {  	[sflag:s22] =	ssyncset.done $0x0  }
0x11d: {  	s10 =	simm.s32 $0x14C40;
	[sflag:s22] =	ssyncadd.s32 $0xFFFFF060  }
0x11e: {  	v1 =	vld [tilespmem:s10+$0x30]  }
0x11f: {  	v2 =	vld [tilespmem:s10+$0xFFFFFFD0]  }
0x120: {  	v3 =	vld [tilespmem:s10+$0xFFFFFFE0]  }
0x121: {  	v4 =	vld [tilespmem:s10+$0xFFFFFFF0]  }
0x122: {  	v5 =	vld [tilespmem:s10+$0x0]  }
0x123: {  	s8 =	simm.s32 $0x16C40;
	v6 =	vld [tilespmem:s10+$0x10]  }
0x124: {  	v7 =	vld [tilespmem:s8+$0x30]  }
0x125: {  	v8 =	vld [tilespmem:s10+$0x20]  }
0x126: {  	v10 =	vld [tilespmem:s10+$0xFFFFFFC0]  }
0x127: {  	v18 =	vld [tilespmem:s8+$0xFFFFFFC0]  }
0x128: {  	v19 =	vld [tilespmem:s8+$0xFFFFFFD0]  }
0x129: {  	v20 =	vld [tilespmem:s8+$0xFFFFFFE0]  }
0x12a: {  	v21 =	vld [tilespmem:s8+$0xFFFFFFF0]  }
0x12b: {  	v22 =	vld [tilespmem:s8+$0x0]  }
0x12c: {  	v23 =	vld [tilespmem:s8+$0x10]  }
0x12d: {  	s7 =	simm.s32 $0x0;
	v24 =	vld [tilespmem:s8+$0x20]  }
0x12e: {  	v9 =	vld.idx.msk [tilespmem:v1+s7+$0x0], $0xffff  }
0x12f: {  	v11 =	vld.idx.msk [tilespmem:v2+s7+$0x0], $0xffff  }
0x130: {  	v12 =	vld.idx.msk [tilespmem:v3+s7+$0x0], $0xffff  }
0x131: {  	v13 =	vld.idx.msk [tilespmem:v4+s7+$0x0], $0xffff  }
0x132: {  	v16 =	vld.idx.msk [tilespmem:v10+s7+$0x0], $0xffff  }
0x133: {  	v14 =	vld.idx.msk [tilespmem:v5+s7+$0x0], $0xffff  }
0x134: {  	v15 =	vld.idx.msk [tilespmem:v6+s7+$0x0], $0xffff  }
0x135: {  	v17 =	vld.idx.msk [tilespmem:v8+s7+$0x0], $0xffff  }
0x136: {  	[tilespmem:v7+s29+$0x0] =	vst.idx.add.f32.msk $0xffff, v9  }
0x137: {  	[tilespmem:v18+s29+$0x0] =	vst.idx.add.f32.msk $0xffff, v16  }
0x138: {  	[tilespmem:v19+s29+$0x0] =	vst.idx.add.f32.msk $0xffff, v11  }
0x139: {  	[tilespmem:v20+s29+$0x0] =	vst.idx.add.f32.msk $0xffff, v12  }
0x13a: {  	[tilespmem:v21+s29+$0x0] =	vst.idx.add.f32.msk $0xffff, v13  }
0x13b: {  	[tilespmem:v22+s29+$0x0] =	vst.idx.add.f32.msk $0xffff, v14  }
0x13c: {  	[tilespmem:v23+s29+$0x0] =	vst.idx.add.f32.msk $0xffff, v15  }
0x13d: {  	[tilespmem:v24+s29+$0x0] =	vst.idx.add.f32.msk $0xffff, v17  }
0x13e: {  	v9 =	vld.idx.msk [tilespmem:v1+s19+$0x0], $0xffff  }
0x13f: {  	v57 =	vld.idx.msk [tilespmem:v2+s19+$0x0], $0xffff  }
0x140: {  	v58 =	vld.idx.msk [tilespmem:v3+s19+$0x0], $0xffff  }
0x141: {  	v59 =	vld.idx.msk [tilespmem:v4+s19+$0x0], $0xffff  }
0x142: {  	v60 =	vld.idx.msk [tilespmem:v5+s19+$0x0], $0xffff  }
0x143: {  	v61 =	vld.idx.msk [tilespmem:v6+s19+$0x0], $0xffff  }
0x144: {  	v62 =	vld.idx.msk [tilespmem:v8+s19+$0x0], $0xffff  }
0x145: {  	[tilespmem:v7+s30+$0x0] =	vst.idx.add.f32.msk $0xffff, v9  }
0x146: {  	[tilespmem:v19+s30+$0x0] =	vst.idx.add.f32.msk $0xffff, v57  }
0x147: {  	[tilespmem:v20+s30+$0x0] =	vst.idx.add.f32.msk $0xffff, v58  }
0x148: {  	[tilespmem:v21+s30+$0x0] =	vst.idx.add.f32.msk $0xffff, v59  }
0x149: {  	[tilespmem:v22+s30+$0x0] =	vst.idx.add.f32.msk $0xffff, v60  }
0x14a: {  	[tilespmem:v23+s30+$0x0] =	vst.idx.add.f32.msk $0xffff, v61  }
0x14b: {  	[tilespmem:v24+s30+$0x0] =	vst.idx.add.f32.msk $0xffff, v62  }
0x14c: {  	v9 =	vld.idx.msk [tilespmem:v1+s20+$0x0], $0xffff  }
0x14d: {  	v11 =	vld.idx.msk [tilespmem:v4+s20+$0x0], $0xffff  }
0x14e: {  	v12 =	vld.idx.msk [tilespmem:v5+s20+$0x0], $0xffff  }
0x14f: {  	v13 =	vld.idx.msk [tilespmem:v6+s20+$0x0], $0xffff  }
0x150: {  	v14 =	vld.idx.msk [tilespmem:v8+s20+$0x0], $0xffff  }
0x151: {  	[tilespmem:v7+s31+$0x0] =	vst.idx.add.f32.msk $0xffff, v9  }
0x152: {  	v9 =	vld.idx.msk [tilespmem:v3+s20+$0x0], $0xffff  }
0x153: {  	[tilespmem:v21+s31+$0x0] =	vst.idx.add.f32.msk $0xffff, v11  }
0x154: {  	[tilespmem:v22+s31+$0x0] =	vst.idx.add.f32.msk $0xffff, v12  }
0x155: {  	[tilespmem:v23+s31+$0x0] =	vst.idx.add.f32.msk $0xffff, v13  }
0x156: {  	v1 =	vld.idx.msk [tilespmem:v1+s21+$0x0], $0xffff  }
0x157: {  	[tilespmem:v24+s31+$0x0] =	vst.idx.add.f32.msk $0xffff, v14  }
0x158: {  	v4 =	vld.idx.msk [tilespmem:v4+s21+$0x0], $0xffff  }
0x159: {  	v5 =	vld.idx.msk [tilespmem:v5+s21+$0x0], $0xffff  }
0x15a: {  	v6 =	vld.idx.msk [tilespmem:v6+s21+$0x0], $0xffff  }
0x15b: {  	[tilespmem:v7+s0+$0x0] =	vst.idx.add.f32.msk $0xffff, v1  }
0x15c: {  	v1 =	vld.idx.msk [tilespmem:v10+s19+$0x0], $0xffff  }
0x15d: {  	v63 =	vld.idx.msk [tilespmem:v8+s21+$0x0], $0xffff  }
0x15e: {  	[tilespmem:v20+s31+$0x0] =	vst.idx.add.f32.msk $0xffff, v9  }
0x15f: {  	v7 =	vld.idx.msk [tilespmem:v2+s20+$0x0], $0xffff  }
0x160: {  	v3 =	vld.idx.msk [tilespmem:v3+s21+$0x0], $0xffff  }
0x161: {  	[tilespmem:v18+s30+$0x0] =	vst.idx.add.f32.msk $0xffff, v1  }
0x162: {  	v1 =	vld.idx.msk [tilespmem:v10+s20+$0x0], $0xffff  }
0x163: {  	[tilespmem:v21+s0+$0x0] =	vst.idx.add.f32.msk $0xffff, v4  }
0x164: {  	[tilespmem:v22+s0+$0x0] =	vst.idx.add.f32.msk $0xffff, v5  }
0x165: {  	[tilespmem:v19+s31+$0x0] =	vst.idx.add.f32.msk $0xffff, v7  }
0x166: {  	v2 =	vld.idx.msk [tilespmem:v2+s21+$0x0], $0xffff  }
0x167: {  	[tilespmem:v18+s31+$0x0] =	vst.idx.add.f32.msk $0xffff, v1  }
0x168: {  	v1 =	vld.idx.msk [tilespmem:v10+s21+$0x0], $0xffff  }
0x169: {  	[tilespmem:v23+s0+$0x0] =	vst.idx.add.f32.msk $0xffff, v6  }
0x16a: {  	[tilespmem:v24+s0+$0x0] =	vst.idx.add.f32.msk $0xffff, v63  }
0x16b: {  	[tilespmem:v20+s0+$0x0] =	vst.idx.add.f32.msk $0xffff, v3  }
0x16c: {  	[tilespmem:v19+s0+$0x0] =	vst.idx.add.f32.msk $0xffff, v2  }
0x16d: {  	s9 =	simm.s32 $0x0;
	s10 =	simm.s32 $0x14CC0;
	[tilespmem:v18+s0+$0x0] =	vst.idx.add.f32.msk $0xffff, v1  }
.LBB2_8:
0x16e: {  	v7 =	vld [tilespmem:s10+$0x30];
	s9 =	sadd.s32 $0x8, s9  }
0x16f: {  	v1 =	vld [tilespmem:s10+$0xFFFFFFD0];
	p1 =	slt.u32 s9, $0xF0  }
0x170: {  	v2 =	vld [tilespmem:s10+$0xFFFFFFE0]  }
0x171: {  	v3 =	vld [tilespmem:s10+$0xFFFFFFF0]  }
0x172: {  	v4 =	vld [tilespmem:s10+$0x0]  }
0x173: {  	s8 =	sadd.s32 $0x80, s8;
	v5 =	vld [tilespmem:s10+$0x10]  }
0x174: {  	v8 =	vld [tilespmem:s8+$0x30]  }
0x175: {  	v6 =	vld [tilespmem:s10+$0x20]  }
0x176: {  	v9 =	vld.idx.msk [tilespmem:v7+s7+$0x0], $0xffff  }
0x177: {  	v10 =	vld [tilespmem:s10+$0xFFFFFFC0]  }
0x178: {  	v11 =	vld.idx.msk [tilespmem:v1+s7+$0x0], $0xffff  }
0x179: {  	v12 =	vld.idx.msk [tilespmem:v2+s7+$0x0], $0xffff  }
0x17a: {  	v13 =	vld.idx.msk [tilespmem:v3+s7+$0x0], $0xffff  }
0x17b: {  	v14 =	vld.idx.msk [tilespmem:v4+s7+$0x0], $0xffff  }
0x17c: {  	[tilespmem:v8+s29+$0x0] =	vst.idx.add.f32.msk $0xffff, v9  }
0x17d: {  	v9 =	vld.idx.msk [tilespmem:v7+s19+$0x0], $0xffff  }
0x17e: {  	v15 =	vld.idx.msk [tilespmem:v5+s7+$0x0], $0xffff  }
0x17f: {  	v16 =	vld.idx.msk [tilespmem:v10+s7+$0x0], $0xffff  }
0x180: {  	v17 =	vld.idx.msk [tilespmem:v6+s7+$0x0], $0xffff  }
0x181: {  	v18 =	vld [tilespmem:s8+$0xFFFFFFC0]  }
0x182: {  	v19 =	vld [tilespmem:s8+$0xFFFFFFD0]  }
0x183: {  	[tilespmem:v8+s30+$0x0] =	vst.idx.add.f32.msk $0xffff, v9  }
0x184: {  	v9 =	vld.idx.msk [tilespmem:v7+s20+$0x0], $0xffff  }
0x185: {  	v20 =	vld [tilespmem:s8+$0xFFFFFFE0]  }
0x186: {  	v21 =	vld [tilespmem:s8+$0xFFFFFFF0]  }
0x187: {  	v22 =	vld [tilespmem:s8+$0x0]  }
0x188: {  	v23 =	vld [tilespmem:s8+$0x10]  }
0x189: {  	v24 =	vld [tilespmem:s8+$0x20]  }
0x18a: {  	[tilespmem:v8+s31+$0x0] =	vst.idx.add.f32.msk $0xffff, v9  }
0x18b: {  	v7 =	vld.idx.msk [tilespmem:v7+s21+$0x0], $0xffff  }
0x18c: {  	[tilespmem:v18+s29+$0x0] =	vst.idx.add.f32.msk $0xffff, v16  }
0x18d: {  	[tilespmem:v19+s29+$0x0] =	vst.idx.add.f32.msk $0xffff, v11  }
0x18e: {  	[tilespmem:v20+s29+$0x0] =	vst.idx.add.f32.msk $0xffff, v12  }
0x18f: {  	[tilespmem:v21+s29+$0x0] =	vst.idx.add.f32.msk $0xffff, v13  }
0x190: {  	[tilespmem:v22+s29+$0x0] =	vst.idx.add.f32.msk $0xffff, v14  }
0x191: {  	[tilespmem:v8+s0+$0x0] =	vst.idx.add.f32.msk $0xffff, v7  }
0x192: {  	[tilespmem:v23+s29+$0x0] =	vst.idx.add.f32.msk $0xffff, v15  }
0x193: {  	[tilespmem:v24+s29+$0x0] =	vst.idx.add.f32.msk $0xffff, v17  }
0x194: {  	v7 =	vld.idx.msk [tilespmem:v10+s19+$0x0], $0xffff  }
0x195: {  	v8 =	vld.idx.msk [tilespmem:v1+s19+$0x0], $0xffff  }
0x196: {  	v9 =	vld.idx.msk [tilespmem:v2+s19+$0x0], $0xffff  }
0x197: {  	v11 =	vld.idx.msk [tilespmem:v3+s19+$0x0], $0xffff  }
0x198: {  	v12 =	vld.idx.msk [tilespmem:v4+s19+$0x0], $0xffff  }
0x199: {  	v13 =	vld.idx.msk [tilespmem:v5+s19+$0x0], $0xffff  }
0x19a: {  	v14 =	vld.idx.msk [tilespmem:v6+s19+$0x0], $0xffff  }
0x19b: {  	[tilespmem:v18+s30+$0x0] =	vst.idx.add.f32.msk $0xffff, v7  }
0x19c: {  	[tilespmem:v19+s30+$0x0] =	vst.idx.add.f32.msk $0xffff, v8  }
0x19d: {  	[tilespmem:v20+s30+$0x0] =	vst.idx.add.f32.msk $0xffff, v9  }
0x19e: {  	[tilespmem:v21+s30+$0x0] =	vst.idx.add.f32.msk $0xffff, v11  }
0x19f: {  	[tilespmem:v22+s30+$0x0] =	vst.idx.add.f32.msk $0xffff, v12  }
0x1a0: {  	[tilespmem:v23+s30+$0x0] =	vst.idx.add.f32.msk $0xffff, v13  }
0x1a1: {  	[tilespmem:v24+s30+$0x0] =	vst.idx.add.f32.msk $0xffff, v14  }
0x1a2: {  	v7 =	vld.idx.msk [tilespmem:v10+s20+$0x0], $0xffff  }
0x1a3: {  	v8 =	vld.idx.msk [tilespmem:v1+s20+$0x0], $0xffff  }
0x1a4: {  	v9 =	vld.idx.msk [tilespmem:v2+s20+$0x0], $0xffff  }
0x1a5: {  	v11 =	vld.idx.msk [tilespmem:v3+s20+$0x0], $0xffff  }
0x1a6: {  	v12 =	vld.idx.msk [tilespmem:v4+s20+$0x0], $0xffff  }
0x1a7: {  	v13 =	vld.idx.msk [tilespmem:v5+s20+$0x0], $0xffff  }
0x1a8: {  	v14 =	vld.idx.msk [tilespmem:v6+s20+$0x0], $0xffff  }
0x1a9: {  	[tilespmem:v18+s31+$0x0] =	vst.idx.add.f32.msk $0xffff, v7  }
0x1aa: {  	[tilespmem:v19+s31+$0x0] =	vst.idx.add.f32.msk $0xffff, v8  }
0x1ab: {  	[tilespmem:v20+s31+$0x0] =	vst.idx.add.f32.msk $0xffff, v9  }
0x1ac: {  	[tilespmem:v21+s31+$0x0] =	vst.idx.add.f32.msk $0xffff, v11  }
0x1ad: {  	[tilespmem:v22+s31+$0x0] =	vst.idx.add.f32.msk $0xffff, v12  }
0x1ae: {  	[tilespmem:v23+s31+$0x0] =	vst.idx.add.f32.msk $0xffff, v13  }
0x1af: {  	[tilespmem:v24+s31+$0x0] =	vst.idx.add.f32.msk $0xffff, v14  }
0x1b0: {  	v7 =	vld.idx.msk [tilespmem:v10+s21+$0x0], $0xffff  }
0x1b1: {  	v1 =	vld.idx.msk [tilespmem:v1+s21+$0x0], $0xffff  }
0x1b2: {  	v2 =	vld.idx.msk [tilespmem:v2+s21+$0x0], $0xffff  }
0x1b3: {  	v3 =	vld.idx.msk [tilespmem:v3+s21+$0x0], $0xffff  }
0x1b4: {  	v4 =	vld.idx.msk [tilespmem:v4+s21+$0x0], $0xffff  }
0x1b5: {  	v5 =	vld.idx.msk [tilespmem:v5+s21+$0x0], $0xffff  }
0x1b6: {  	v6 =	vld.idx.msk [tilespmem:v6+s21+$0x0], $0xffff  }
0x1b7: {  	[tilespmem:v18+s0+$0x0] =	vst.idx.add.f32.msk $0xffff, v7  }
0x1b8: {  	[tilespmem:v19+s0+$0x0] =	vst.idx.add.f32.msk $0xffff, v1  }
.Ltmp5:
0x1b9: {  	[tilespmem:v20+s0+$0x0] =	vst.idx.add.f32.msk $0xffff, v2;
	(pc) =	sbr.rel @p1 .LBB2_8-.Ltmp5, $4  }
0x1ba: {  	[tilespmem:v21+s0+$0x0] =	vst.idx.add.f32.msk $0xffff, v3  }
0x1bb: {  	[tilespmem:v22+s0+$0x0] =	vst.idx.add.f32.msk $0xffff, v4  }
0x1bc: {  	[tilespmem:v23+s0+$0x0] =	vst.idx.add.f32.msk $0xffff, v5  }
0x1bd: {  	s10 =	sadd.s32 $0x80, s10;
	[tilespmem:v24+s0+$0x0] =	vst.idx.add.f32.msk $0xffff, v6  }
.LBB2_9:
0x1be: {  	s8 =	sshra.s32 s7, $0x2  }
0x1bf: {  	v1 =	vld [tilespmem:s8+$0x15B80];
	_ =	sdelay $0x4  }
0x1c0: {  	v2 =	vld [tilespmem:s8+$0x17B80];
	_ =	sdelay $0x2  }
0x1c1: {  	v3 =	vld.idx.msk [tilespmem:v1+s1+$0x0], $0xffff;
	_ =	sdelay $0x4  }
0x1c2: {  	[tilespmem:v2+s29+$0x0] =	vst.idx.add.f32.msk $0xffff, v3  }
0x1c3: {  	v3 =	vld.idx.msk [tilespmem:v1+s19+$0x0], $0xffff;
	_ =	sdelay $0x4  }
0x1c4: {  	[tilespmem:v2+s30+$0x0] =	vst.idx.add.f32.msk $0xffff, v3  }
0x1c5: {  	v3 =	vld.idx.msk [tilespmem:v1+s20+$0x0], $0xffff;
	_ =	sdelay $0x4  }
0x1c6: {  	[tilespmem:v2+s31+$0x0] =	vst.idx.add.f32.msk $0xffff, v3  }
0x1c7: {  	p1 =	sne.s32 s7, $0x40;
	v1 =	vld.idx.msk [tilespmem:v1+s21+$0x0], $0xffff  }
.Ltmp6:
0x1c8: {  	_ = 	snop;
	(pc) =	sbr.rel @p1 .LBB2_9-.Ltmp6, $2  }
0x1c9: {  	_ =	sdelay $0x2  }
0x1ca: {  	s7 =	sadd.s32 $0x40, s7;
	[tilespmem:v2+s0+$0x0] =	vst.idx.add.f32.msk $0xffff, v1  }
.Ltmp7:
0x1cb: {  	(pc) =	sbr.rel @p0 .LBB2_12-.Ltmp7, $1  }
0x1cc: {  	_ =	sdelay $0x3  }
0x1cd: {  	s7 =	smul.u32 $0x1F40, s6;
	_ =	sdelay $0x1  }
0x1ce: {  	s7 =	sshrl.u32 s7, $0x3  }
.Ltmp8:
0x1cf: {  	s7 =	sadd.s32 $0x5DC, s7;
	(pc) =	sbr.rel .LBB2_4-.Ltmp8, $4  }
0x1d0: {  	s8 =	sadd.s32 s3, s7  }
0x1d1: {  	[tilespmem:s24], [sflag:$0x3] =	stream.linear.gather [hbm4b:s8+s1], $0xFA0, $0x38;
	[tilespmem:$0x17C00] =	vst v63  }
0x1d2: {  	s6 =	sadd.s32 $0x1, s6;
	s7 =	sadd.s32 s4, s7  }
0x1d3: {  	[tilespmem:s25], [sflag:$0x4] =	stream.linear.gather [hbm4b:s7+s1], $0xFA0, $0x38;
	[tilespmem:$0x17C00] =	vst v63  }
.LBB2_13:
0x1d4: {  	_ =	sfence.sel $0x180000  }
0x1d5: {  	[bflag:$0x0] =	sbarrier.arrive $0xFFFF  }
0x1d6: {  	_ =	strace $0x9000004A  }
0x1d7: {  	s0 =	stileid.u32;
	[bflag:$0x2] =	sbarrier.arrive $0xFFFF  }
0x1d8: {  	p0 =	sne.s32 s0, $0x0;
	s0 =	rddreg [dreg:$0x1]  }
0x1d9: {  	s0 =	sadd.s32 @!p0 $0x100000, s0  }
0x1da: {  	[sflag:s0] =	ssyncadd.tile.s32 @!p0 $0x1;
	_ =	shalt  }
.Lfunc_end2:
_tile_overlayer_lowered:
.L_overlay_start_2:
0x1db: {  	(tag) =	ssettag $0x2  }
0x1dc: {  	s0 =	rddreg [dreg:$0x0];
	s2 =	stileid.u32  }
0x1dd: {  	s1 =	rddreg [dreg:$0x1];
	p0 =	sne.s32 s2, $0x0  }
0x1de: {  	s3 =	rddreg [dreg:$0x2];
	[bflag:$0x3] =	sbarrier.arrive $0xFFFF;
	s2 =	simm.s32 @!p0 $0x1C05  }
0x1df: {  	[timem:s3], [sflag:s2] =	dma.local @!p0 [hbm:s0], s1  }
0x1e0: {  	s0 =	simm.s32 @!p0 $0x5  }
0x1e1: {  	_ =	swait.ge @!p0 [sflag:s0], s1  }
0x1e2: {  	s1 =	ssub.s32 @!p0 $0x0, s1;
	[sflag:s0] =	ssyncset.done @!p0 $0x0  }
0x1e3: {  	[sflag:s0] =	ssyncadd.s32 @!p0 s1  }
0x1e4: {  	[bflag:$0x3] =	sbarrier.arrive $0xFFFF  }
0x1e5: {  	_ =	shalt  }

</sc_bundles>
